<compile_context>
chip_gen: v7x
topology: tpu7x:2x2x1
jax: 0.10.2.dev20260603
libtpu: 0.0.44.dev20260713+nightly
codegen_flags: <defaults>
</compile_context>

<pallas_src>
import functools

import jax
import jax.numpy as jnp
from jax.experimental import pallas as pl


def _tile_kernel(b_ref, mp_ref, mpT_ref, sparse_ref, mask_ref):
    b = b_ref[...]
    scores = jax.lax.dot(
        mp_ref[...], jnp.abs(b), preferred_element_type=jnp.float32
    )
    mx = jnp.max(scores, axis=0, keepdims=True)
    idx = jax.lax.broadcasted_iota(jnp.int32, scores.shape, 0)
    best = jnp.min(jnp.where(scores == mx, idx, 90), axis=0, keepdims=True)
    onehot = (idx == best).astype(jnp.float32)
    maskv = jax.lax.dot(
        mpT_ref[...], onehot, preferred_element_type=jnp.float32
    )
    sparse_ref[...] = b * maskv
    mask_ref[...] = maskv > 0.5


@functools.partial(jax.jit, static_argnames=("lt",))
def _run(x, mp, mpT, lt):
    m, k = x.shape
    nb = (m // 4) * (k // 4)
    xb = (
        x.reshape(m // 4, 4, k // 4, 4)
        .transpose(1, 3, 0, 2)
        .reshape(16, nb)
    )
    grid = (nb // lt,)
    sparse_b, mask_b = pl.pallas_call(
        _tile_kernel,
        grid=grid,
        in_specs=[
            pl.BlockSpec((16, lt), lambda i: (0, i)),
            pl.BlockSpec((90, 16), lambda i: (0, 0)),
            pl.BlockSpec((16, 90), lambda i: (0, 0)),
        ],
        out_specs=[
            pl.BlockSpec((16, lt), lambda i: (0, i)),
            pl.BlockSpec((16, lt), lambda i: (0, i)),
        ],
        out_shape=[
            jax.ShapeDtypeStruct((16, nb), jnp.float32),
            jax.ShapeDtypeStruct((16, nb), jnp.bool_),
        ],
    )(xb, mp, mpT)
    sparse = (
        sparse_b.reshape(4, 4, m // 4, k // 4).transpose(2, 0, 3, 1).reshape(m, k)
    )
    mask = (
        mask_b.reshape(4, 4, m // 4, k // 4).transpose(2, 0, 3, 1).reshape(m, k)
    )
    return sparse, mask


def kernel(x, mask_pattern):
    mp = mask_pattern.astype(jnp.float32)
    return _run(x, mp, mp.T, 4096)

# --- scband reference (transcript-rebuilt; emitter-appended) ---
"""Pipeline reference for scband-transposable-sparse-71932112273438 (READ-ONLY COPY).

The authoritative reference and input builder live on the scoring server;
editing this copy changes nothing except your own understanding.
"""

import jax, jax.numpy as jnp
import numpy as np
import itertools


def _make_mask_pattern():
    # Enumerate all 4x4 binary patterns with exactly 2 ones per row AND per column
    # in lexicographic row order; reproduces the module's hard-coded 90x16 table.
    combos = list(itertools.combinations(range(4), 2))
    row_vecs = [[1 if j in c else 0 for j in range(4)] for c in combos]
    patterns = []
    for a in row_vecs:
        for b in row_vecs:
            for c in row_vecs:
                for d in row_vecs:
                    if all(a[j] + b[j] + c[j] + d[j] == 2 for j in range(4)):
                        patterns.append(a + b + c + d)
    assert len(patterns) == 90
    return np.array(patterns, dtype=np.int32)


def setup_inputs(seed: int = 0):
    key = jax.random.key(seed)
    x = jax.random.normal(key, (4096, 4096), dtype=jnp.float32)
    mask_pattern = jnp.asarray(_make_mask_pattern())  # int32 [90, 16], constant buffer
    return {"x": x, "mask_pattern": mask_pattern}


def reference(x, mask_pattern):
    # TransposableSparse.forward with abs=True.
    # Partition x into 4x4 blocks; for each block pick the transposable 2:4 mask
    # pattern maximizing the sum of |values| kept; zero out the rest.
    m, k = x.shape
    blocks = x.reshape(m // 4, 4, k // 4, 4).transpose(0, 2, 1, 3).reshape(-1, 16)
    mp = mask_pattern.astype(x.dtype)
    scores = jnp.abs(blocks) @ mp.T  # [n_blocks, 90] == tl.dot(mask_raw, tl.abs(dense))
    best = jnp.argmax(scores, axis=1)  # first max index, matches tl.argmax
    msk = jnp.take(mask_pattern, best, axis=0).astype(bool)  # [n_blocks, 16]
    sparse_blocks = jnp.where(msk, blocks, jnp.zeros_like(blocks))
    sparse = sparse_blocks.reshape(m // 4, k // 4, 4, 4).transpose(0, 2, 1, 3).reshape(m, k)
    mask = msk.reshape(m // 4, k // 4, 4, 4).transpose(0, 2, 1, 3).reshape(m, k)
    return sparse, mask

if __name__ == "__main__":
    import jax
    _d = setup_inputs()
    print(jax.jit(kernel)(*tuple(_d.values())))

</pallas_src>

<mosaic_0001>
module attributes {stable_mosaic.version = 14 : i64} {
  func.func @_tile_kernel(%arg0: i32, %arg1: memref<16x4096xf32, #tpu.memory_space<vmem>>, %arg2: memref<90x16xf32, #tpu.memory_space<vmem>>, %arg3: memref<16x90xf32, #tpu.memory_space<vmem>>, %arg4: memref<16x4096xf32, #tpu.memory_space<vmem>>, %arg5: memref<16x4096xi32, #tpu.memory_space<vmem>>) attributes {dimension_semantics = [#tpu.dimension_semantics<arbitrary>], iteration_bounds = array<i64: 256>, scalar_prefetch = 0 : i64, scratch_operands = 0 : i64, tpu.core_type = #tpu.core_type<tc>, window_params = [{transform_indices = @transform_0, window_bounds = array<i64: 16, 4096>}, {pipeline_mode = #tpu.pipeline_mode<synchronous>, transform_indices = @transform_1, window_bounds = array<i64: 90, 16>}, {pipeline_mode = #tpu.pipeline_mode<synchronous>, transform_indices = @transform_2, window_bounds = array<i64: 16, 90>}, {transform_indices = @transform_3, window_bounds = array<i64: 16, 4096>}, {transform_indices = @transform_4, window_bounds = array<i64: 16, 4096>}]} {
    %get3A = arith.constant 0 : index
    %get3A_0 = arith.constant 0 : index
    %get3A_1 = vector.load %arg1[%get3A, %get3A_0] : memref<16x4096xf32, #tpu.memory_space<vmem>>, vector<16x4096xf32>
    %get3A_2 = arith.constant 0 : index
    %get3A_3 = arith.constant 0 : index
    %get3A_4 = vector.load %arg2[%get3A_2, %get3A_3] : memref<90x16xf32, #tpu.memory_space<vmem>>, vector<90x16xf32>
    %abs3A = math.absf %get3A_1 : vector<16x4096xf32>
    %dot_general3A = arith.constant dense<0.000000e+00> : vector<90x4096xf32>
    %dot_general3A_5 = tpu.matmul %get3A_4, %abs3A, %dot_general3A {dimension_numbers = #tpu.dot_dimension_numbers<[1], [0], [0], [1], [0, 0, 1, 1], [], []>, transpose_lhs_hint = false} : vector<90x16xf32>, vector<16x4096xf32>, vector<90x4096xf32> -> vector<90x4096xf32>
    %reduce_max3A = arith.constant dense<0xFF800000> : vector<4096xf32>
    %reduce_max3A_6 = vector.multi_reduction <maximumf>, %dot_general3A_5, %reduce_max3A [0] : vector<90x4096xf32> to vector<4096xf32>
    %broadcast_in_dim3A = vector.shape_cast %reduce_max3A_6 : vector<4096xf32> to vector<1x4096xf32>
    %iota3A = tpu.iota {dimensions = array<i32: 0>} : vector<90x4096xi32>
    %eq3A = vector.broadcast %broadcast_in_dim3A : vector<1x4096xf32> to vector<90x4096xf32>
    %eq3A_7 = arith.cmpf oeq, %dot_general3A_5, %eq3A : vector<90x4096xf32>
    %jit3A = arith.constant 90 : i32
    %broadcast_in_dim3A_8 = vector.broadcast %jit3A : i32 to vector<90x4096xi32>
    %select_n3A = arith.select %eq3A_7, %iota3A, %broadcast_in_dim3A_8 : vector<90x4096xi1>, vector<90x4096xi32>
    %reduce_min3A = arith.constant dense<2147483647> : vector<4096xi32>
    %reduce_min3A_9 = vector.multi_reduction <minsi>, %select_n3A, %reduce_min3A [0] : vector<90x4096xi32> to vector<4096xi32>
    %broadcast_in_dim3A_10 = vector.shape_cast %reduce_min3A_9 : vector<4096xi32> to vector<1x4096xi32>
    %eq3A_11 = vector.broadcast %broadcast_in_dim3A_10 : vector<1x4096xi32> to vector<90x4096xi32>
    %eq3A_12 = arith.cmpi eq, %iota3A, %eq3A_11 : vector<90x4096xi32>
    %convert_element_type3A = arith.extui %eq3A_12 : vector<90x4096xi1> to vector<90x4096xi32>
    %convert_element_type3A_13 = arith.sitofp %convert_element_type3A : vector<90x4096xi32> to vector<90x4096xf32>
    %get3A_14 = arith.constant 0 : index
    %get3A_15 = arith.constant 0 : index
    %get3A_16 = vector.load %arg3[%get3A_14, %get3A_15] : memref<16x90xf32, #tpu.memory_space<vmem>>, vector<16x90xf32>
    %dot_general3A_17 = arith.constant dense<0.000000e+00> : vector<16x4096xf32>
    %dot_general3A_18 = tpu.matmul %get3A_16, %convert_element_type3A_13, %dot_general3A_17 {dimension_numbers = #tpu.dot_dimension_numbers<[1], [0], [0], [1], [0, 0, 1, 1], [], []>, transpose_lhs_hint = false} : vector<16x90xf32>, vector<90x4096xf32>, vector<16x4096xf32> -> vector<16x4096xf32>
    %mul3A = arith.mulf %get3A_1, %dot_general3A_18 : vector<16x4096xf32>
    %swap3A = arith.constant 0 : index
    %swap3A_19 = arith.constant 0 : index
    %swap3A_20 = vector.load %arg4[%swap3A, %swap3A_19] : memref<16x4096xf32, #tpu.memory_space<vmem>>, vector<16x4096xf32>
    tpu.vector_store %arg4[%swap3A, %swap3A_19], %mul3A {strides = array<i32>} : memref<16x4096xf32, #tpu.memory_space<vmem>>, vector<16x4096xf32>,
    %gt3A = arith.constant 5.000000e-01 : f32
    %gt3A_21 = vector.broadcast %gt3A : f32 to vector<16x4096xf32>
    %gt3A_22 = arith.cmpf ogt, %dot_general3A_18, %gt3A_21 : vector<16x4096xf32>
    %swap3A_23 = arith.constant 0 : index
    %swap3A_24 = arith.constant 0 : index
    %swap3A_25 = vector.load %arg5[%swap3A_23, %swap3A_24] : memref<16x4096xi32, #tpu.memory_space<vmem>>, vector<16x4096xi32>
    %swap3A_26 = arith.extui %gt3A_22 : vector<16x4096xi1> to vector<16x4096xi32>
    %swap3A_27 = arith.constant dense<0> : vector<16x4096xi32>
    %swap3A_28 = arith.cmpi ne, %swap3A_25, %swap3A_27 : vector<16x4096xi32>
    tpu.vector_store %arg5[%swap3A_23, %swap3A_24], %swap3A_26 {strides = array<i32>} : memref<16x4096xi32, #tpu.memory_space<vmem>>, vector<16x4096xi32>,
    return
  }
  func.func @transform_0(%arg0: i32) -> (i32, i32) {
    %c0_i32 = arith.constant 0 : i32
    %c0_i32_0 = arith.constant 0 : i32
    return %c0_i32, %arg0 : i32, i32
  }
  func.func @transform_1(%arg0: i32) -> (i32, i32) {
    %c0_i32 = arith.constant 0 : i32
    %c0_i32_0 = arith.constant 0 : i32
    %c0_i32_1 = arith.constant 0 : i32
    return %c0_i32, %c0_i32_0 : i32, i32
  }
  func.func @transform_2(%arg0: i32) -> (i32, i32) {
    %c0_i32 = arith.constant 0 : i32
    %c0_i32_0 = arith.constant 0 : i32
    %c0_i32_1 = arith.constant 0 : i32
    return %c0_i32, %c0_i32_0 : i32, i32
  }
  func.func @transform_3(%arg0: i32) -> (i32, i32) {
    %c0_i32 = arith.constant 0 : i32
    %c0_i32_0 = arith.constant 0 : i32
    return %c0_i32, %arg0 : i32, i32
  }
  func.func @transform_4(%arg0: i32) -> (i32, i32) {
    %c0_i32 = arith.constant 0 : i32
    %c0_i32_0 = arith.constant 0 : i32
    return %c0_i32, %arg0 : i32, i32
  }
}

</mosaic_0001>

<sc_bundles>
// kernel: sparse-core-data-format-call.1.cloned.1.call-start
scs
called_computation.1_lowered:
.L_overlay_start_0:
0x0: {  	s2 =	sld [smem:$0x3FD9]  }
0x1: {  	s3 =	sld [smem:$0x3FFE];
	_ =	sdelay $0x1  }
0x2: {  	s1 =	srdreg.scid  }
0x3: {  	s0 =	sand.u32 $0x1, s1  }
0x4: {  	s15 =	sshll.u32 s0, $0xA;
	s2 =	sadd.s32 s3, s2  }
0x5: {  	s2 =	sadd.s32 s2, s15  }
0x6: {  	[smem:$0x3FC5] =	sst s2  }
0x7: {  	_ = 	snop  }
0x8: {  	s2 =	sld [smem:$0x3FD0];
	_ =	sdelay $0x2  }
0x9: {  	s16 =	simm.s32 $0xA;
	s4 =	simm.s32 $0x10  }
0xa: {  	[smem:s4], [sflag:s16] =	dma.local [hbm:s2], $0x1  }
0xb: {  	_ =	swait.eq [sflag:s16], $0x1  }
0xc: {  	[sflag:s16] =	ssyncset.done $0x0  }
0xd: {  	[sflag:s16] =	ssyncadd.s32 $0xFFFFFFFF  }
0xe: {  	s17 =	sld [smem:$0x10];
	(tm) =	ssettm $0x1  }
0xf: {  	s18 =	sld [smem:$0x3FFB];
	_ =	sdelay $0x3  }
0x10: {  	_ =	strace s18  }
0x11: {  	s3 =	sld [smem:$0x3FFC];
	_ =	sdelay $0x3  }
0x12: {  	_ =	strace s3  }
0x13: {  	s3 =	sld [smem:$0x3FFD];
	_ =	sdelay $0x3  }
0x14: {  	_ =	strace s3  }
0x15: {  	_ =	strace $0x8FFFFFFF  }
0x16: {  	s19 =	sld [smem:$0x3FDB];
	_ =	sdelay $0x1  }
0x17: {  	s20 =	simm.s32 $_scs_section_size  }
0x18: {  	s5 =	simm.s32 $_size__tile_overlayer_lowered;
	s6 =	simm.s32 $_tile_overlayer_lowered  }
0x19: {  	s23 =	simm.s32 $0x1BFF;
	s22 =	sshll.u32 s6, $0x1;
	s3 =	sadd.s32 s20, s19  }
0x1a: {  	s7 =	simm.s32 $0x0;
	s21 =	sshll.u32 s5, $0x1;
	s5 =	sadd.s32 s22, s3  }
0x1b: {  	[timem:s7], [sflag:s23] =	dma.local [hbm:s5], s21  }
0x1c: {  	_ =	swait.ge [sflag:s23], s21  }
0x1d: {  	s4 =	ssub.s32 $0x0, s21;
	[sflag:s23] =	ssyncset.done $0x0  }
0x1e: {  	[sflag:s23] =	ssyncadd.s32 s4;
	_ =	sdelay $0x1  }
0x1f: {  	s24 =	simm.s32 $0x1B8B  }
0x20: {  	_ =	swait.ge [sflag:s24], $0x1  }
0x21: {  	[sflag:s24] =	ssyncset.done $0x0  }
0x22: {  	s26 =	simm.s32 $0x1B8E;
	s25 =	sld [smem:$0x3FFE];
	[sflag:s24] =	ssyncadd.s32 $0xFFFFFFFF  }
0x23: {  	s27 =	simm.s32 $execute0_lowered;
	[smem:$0x3FD2] =	sst s26  }
0x24: {  	s5 =	sshll.u32 s27, $0x1;
	_ =	strace $0x80000049;
	[dreg:$0x1] =	wrdreg $0xFFFFFFFF  }
0x25: {  	s28 =	simm.s32 $_size_execute0_lowered;
	s3 =	sadd.s32 s3, s5;
	[dreg:$0x0] =	wrdreg $0x0  }
0x26: {  	s5 =	sshll.u32 s28, $0x1;
	[dreg:$0x2] =	wrdreg s3  }
0x27: {  	[dreg:$0x3] =	wrdreg s5  }
0x28: {  	[dreg:$0x4] =	wrdreg $0xC0  }
0x29: {  	_ =	task [dreg:s7], $0x5FFFF  }
0x2a: {  	[dreg:$0x1] =	wrdreg $0xFFFFFFFF  }
0x2b: {  	[dreg:$0x0] =	wrdreg $0x60  }
0x2c: {  	[dreg:$0x2] =	wrdreg s17  }
0x2d: {  	[dreg:$0x3] =	wrdreg s25  }
0x2e: {  	[dreg:$0x4] =	wrdreg $0x9  }
0x2f: {  	_ =	task.clear_ibuf [dreg:s7], $0x5FFFF;
	_ =	strace $0x90000049  }
0x30: {  	s29 =	simm.s32 $0x9;
	_ =	strace $0x8000004B  }
0x31: {  	_ =	swait.ge [sflag:s29], $0x1  }
0x32: {  	[sflag:s29] =	ssyncadd.s32 $0xFFFFFFFF  }
0x33: {  	_ =	strace $0x9000004B  }
0x34: {  	_ =	sfence  }
0x35: {  	s30 =	sld [smem:$0x0];
	_ =	sdelay $0x2  }
0x36: {  	s31 =	sshll.u32 s1, $0xD;
	s1 =	sshrl.u32 s1, $0x2  }
0x37: {  	s3 =	sand.u32 $0x4000, s31;
	s1 =	sadd.s32 s1, s30  }
0x38: {  	s0 =	sor.u32 s3, s0;
	s1 =	sshll.u32 s1, $0x11  }
0x39: {  	s0 =	sor.u32 s1, s0  }
0x3a: {  	s0 =	sadd.s32 $0x8F2B, s0  }
0x3b: {  	[sflag:s0] =	ssyncadd.remote.s32 $0x1  }
0x3c: {  	_ =	sfence.sel $0xFFFF  }
0x3d: {  	[dreg:$0x0] =	wrdreg $0xFFFFFFFF;
	(pc) =	sbr.abs _section_cstart, $3  }
0x3e: {  	[dreg:$0x1] =	wrdreg $0xFFFFFFFF  }
0x3f: {  	_ =	task.clear_ibuf [dreg:s7], $0x2FFFF;
	_ =	strace $0x9FFFFFFF  }
0x40: {  	(tm) =	ssettm $0x7FFFFFFF  }
0x41: {  	_ =	shalt  }
tec
execute0_lowered:
.L_overlay_start_1:
0x0: {  	(tag) =	ssettag $0x1  }
0x1: {  	s1 =	srdreg.scid  }
0x2: {  	s0 =	stileid.u32;
	s4 =	rddreg [dreg:$0x0]  }
0x3: {  	s6 =	rddreg [dreg:$0x1];
	s31 =	simm.s32 $0x2;
	s17 =	simm.s32 $0x0  }
0x4: {  	s10 =	simm.s32 $0x2000;
	s11 =	simm.s32 $0x0;
	s18 =	simm.s32 $0x0  }
0x5: {  	s20 =	simm.s32 $0x0;
	s19 =	simm.s32 $0x0;
	s2 =	sshll.u32 s1, $0x7  }
0x6: {  	s12 =	simm.s32 $0x0;
	s1 =	sand.u32 $0x1, s0;
	s3 =	sand.u32 $0x80, s2  }
0x7: {  	s16 =	simm.s32 $0x0;
	s30 =	ssub.s32 $0x2, s1;
	s5 =	ssub.s32 $0x400, s3  }
0x8: {  	s6 =	sadd.s32 $0x1200, s6;
	s7 =	sshrl.u32 s30, $0x1;
	s8 =	sshrl.u32 s5, $0x7  }
0x9: {  	s9 =	sand.u32 $0x1, s30;
	s5 =	sshrl.u32 s5, $0x8;
	s8 =	sand.u32 $0x1, s8  }
.Ltmp0:
0xa: {  	s7 =	sadd.s32 s9, s7;
	s8 =	sadd.s32 s5, s8;
	(pc) =	sbr.rel .LBB1_1-.Ltmp0, $4  }
0xb: {  	s2 =	rddreg [dreg:$0x2];
	_ =	strace $0x8000004A;
	s8 =	smul.u32 s8, s7  }
0xc: {  	s15 =	smov.u32 s1;
	s13 =	smov.u32 s3;
	s5 =	simm.s32 $0x1  }
0xd: {  	[sflag:s5] =	ssyncpa.u1 $0x0;
	s7 =	sshrl.u32 s0, $0x1;
	s8 =	sshll.u32 s8, $0x3  }
0xe: {  	[sflag:s31] =	ssyncpa.u1 $0x0;
	s14 =	smov.u32 s7;
	s9 =	sor.u32 $0x1, s8  }
.LBB1_4:
0xf: {  	_ =	sdelay $0x3  }
0x10: {  	[tilespmem:v0+s23+$0xFFFFFFA0 ss:$0x1] =	vst.idx.msk $0xffff, v6  }
0x11: {  	v56 =	vld.idx.msk [tilespmem:v1+s22+$0x30 ss:$0x1], $0xffff;
	[tilespmem:v0+s23+$0xFFFFFFB0 ss:$0x1] =	vst.idx.msk $0xffff, v4  }
0x12: {  	v57 =	vld.idx.msk [tilespmem:v1+s22+$0xFFFFFFC0 ss:$0x1], $0xffff;
	[tilespmem:v0+s23+$0xFFFFFFC0 ss:$0x1] =	vst.idx.msk $0xffff, v2  }
0x13: {  	v58 =	vld.idx.msk [tilespmem:v1+s22+$0xFFFFFFD0 ss:$0x1], $0xffff;
	[tilespmem:v0+s23+$0xFFFFFFD0 ss:$0x1] =	vst.idx.msk $0xffff, v3  }
0x14: {  	v59 =	vld.idx.msk [tilespmem:v1+s22+$0xFFFFFFE0 ss:$0x1], $0xffff;
	[tilespmem:v0+s23+$0xFFFFFFE0 ss:$0x1] =	vst.idx.msk $0xffff, v5  }
0x15: {  	v60 =	vld.idx.msk [tilespmem:v1+s22+$0xFFFFFFF0 ss:$0x1], $0xffff;
	[tilespmem:v0+s23+$0xFFFFFFF0 ss:$0x1] =	vst.idx.msk $0xffff, v7  }
0x16: {  	v61 =	vld.idx.msk [tilespmem:v1+s22+$0x0 ss:$0x1], $0xffff;
	[tilespmem:v0+s22+$0x0 ss:$0x1] =	vst.idx.msk $0xffff, v56  }
0x17: {  	v62 =	vld.idx.msk [tilespmem:v1+s22+$0x10 ss:$0x1], $0xffff;
	[tilespmem:v0+s22+$0xFFFFFF90 ss:$0x1] =	vst.idx.msk $0xffff, v57  }
0x18: {  	v63 =	vld.idx.msk [tilespmem:v1+s22+$0x20 ss:$0x1], $0xffff;
	s20 =	sshll.u32 s20, $0x7;
	[tilespmem:v0+s22+$0xFFFFFFA0 ss:$0x1] =	vst.idx.msk $0xffff, v58  }
0x19: {  	s28 =	sand.u32 $0x78, s17;
	s19 =	sshll.u32 s19, $0x14;
	s18 =	sshll.u32 s18, $0xA;
	[tilespmem:v0+s22+$0xFFFFFFB0 ss:$0x1] =	vst.idx.msk $0xffff, v59  }
0x1a: {  	s29 =	sand.u32 $0x380, s17;
	s20 =	sand.u32 $0x380, s20;
	s19 =	sadd.s32 s6, s19;
	[tilespmem:v0+s22+$0xFFFFFFC0 ss:$0x1] =	vst.idx.msk $0xffff, v60  }
0x1b: {  	s30 =	sand.u32 $0x7, s17;
	s20 =	sor.u32 s20, s28;
	s18 =	sadd.s32 s18, s19;
	[tilespmem:v0+s22+$0xFFFFFFD0 ss:$0x1] =	vst.idx.msk $0xffff, v61  }
0x1c: {  	s17 =	sshll.u32 s30, $0x12;
	s31 =	sshrl.u32 s20, $0x3;
	s18 =	sadd.s32 s29, s18;
	[tilespmem:v0+s22+$0xFFFFFFE0 ss:$0x1] =	vst.idx.msk $0xffff, v62  }
0x1d: {  	s17 =	sor.u32 $0x80, s17;
	s18 =	sadd.s32 s31, s18;
	[tilespmem:v0+s22+$0xFFFFFFF0 ss:$0x1] =	vst.idx.msk $0xffff, v63  }
0x1e: {  	[hbm4b:s18+s17] =	stream.strided.scatter [tilespmem:s21], [sflag:$0x2], $0x4000, s10, s17, $0x38;
	[tilespmem:$0x10000] =	vst v63  }
.LBB1_5:
0x1f: {  	s21 =	sadd.s32 $0x80, s12  }
0x20: {  	s17 =	sadd.s32 $0x100, s13;
	s22 =	smov.u32 s13;
	p1 =	sgt.s32 s21, $0x3FF  }
0x21: {  	s22 =	smov.u32 @p1 s17  }
0x22: {  	s23 =	smov.u32 s14;
	s17 =	sadd.s32 $0x8, s14;
	p2 =	sgt.s32 s22, $0x3FF  }
0x23: {  	s23 =	smov.u32 @p2 s17  }
0x24: {  	s24 =	smov.u32 s15;
	s17 =	sadd.s32 $0x2, s15;
	p3 =	sgt.s32 s23, $0x7  }
0x25: {  	p0 =	slt.u32 s16, $0x2;
	s24 =	smov.u32 @p3 s17  }
0x26: {  	s18 =	smov.u32 s13;
	s21 =	simm.s32 @p1 $0x0;
	p1 =	sgt.s32 s24, $0x1  }
0x27: {  	s25 =	simm.s32 @!p0 $0x2;
	s24 =	smov.u32 @p1 s1;
	p1 =	sne.s32 s16, s9  }
.Ltmp1:
0x28: {  	s20 =	smov.u32 s14;
	_ =	swait.ge @!p0 [sflag:s25], $0x4000;
	(pc) =	sbr.rel @!p1 .LBB1_6-.Ltmp1, $4  }
0x29: {  	s19 =	smov.u32 s15;
	[sflag:s25] =	ssyncset.done @!p0 $0x0;
	s22 =	smov.u32 @p2 s3  }
0x2a: {  	s11 =	sadd.s32 $0x4000, s11;
	[sflag:s25] =	ssyncadd.s32 @!p0 $0xFFFFC000;
	s13 =	smov.u32 s22  }
0x2b: {  	s23 =	smov.u32 @p3 s7;
	s17 =	smov.u32 s12;
	s12 =	smov.u32 s21  }
0x2c: {  	s14 =	smov.u32 s23;
	s16 =	sadd.s32 $0x1, s16;
	s15 =	smov.u32 s24  }
.LBB1_1:
0x2d: {  	p0 =	sge.u32 s16, s8;
	s31 =	sadd.s32 $0xFFFFFFFF, s16  }
0x2e: {  	s21 =	sxor.u32 @!p0 $0xFFFFFFFF, s16;
	s22 =	sshll.u32 @!p0 s13, $0x7;
	s23 =	sand.u32 @!p0 $0x78, s12  }
0x2f: {  	s25 =	sshll.u32 @!p0 s14, $0x11;
	s21 =	sshll.u32 @!p0 s21, $0xE;
	s24 =	sand.u32 @!p0 $0x380, s22  }
0x30: {  	s22 =	sand.u32 @!p0 $0x1FC00, s22;
	s23 =	sor.u32 @!p0 s23, s24;
	s24 =	sshll.u32 @!p0 s15, $0x14  }
0x31: {  	s21 =	sand.u32 @!p0 $0x4000, s21;
	s22 =	sadd.s32 @!p0 s12, s22;
	s24 =	sadd.s32 @!p0 s4, s24  }
0x32: {  	s23 =	sshrl.u32 @!p0 s23, $0x3;
	s24 =	sadd.s32 @!p0 s25, s24;
	s25 =	sand.u32 @!p0 $0x7, s12  }
0x33: {  	s22 =	sand.u32 @!p0 $0x1FF80, s22;
	s23 =	sadd.s32 @!p0 s23, s24;
	s24 =	sshll.u32 @!p0 s25, $0x12  }
0x34: {  	s22 =	sadd.s32 @!p0 s22, s23;
	s23 =	sor.u32 @!p0 $0x400, s24;
	s24 =	simm.s32 @!p0 $0x2000  }
0x35: {  	[tilespmem:s21], [sflag:$0x1] =	stream.strided.gather @!p0 [hbm4b:s22+s23], $0x4000, s24, s23, $0x38;
	[tilespmem:$0x10000] =	vst v63  }
0x36: {  	p0 =	sge.u32 s31, s8  }
.Ltmp2:
0x37: {  	_ = 	snop;
	(pc) =	sbr.rel @p0 .LBB1_5-.Ltmp2, $1  }
0x38: {  	_ =	sdelay $0x3  }
0x39: {  	s21 =	sand.u32 $0x4000, s11  }
0x3a: {  	s22 =	sor.u32 $0x40, s21  }
0x3b: {  	v1 =	vmov s22;
	_ =	sdelay $0x1  }
0x3c: {  	_ =	swait.ge [sflag:s5], $0x4000  }
0x3d: {  	[sflag:s5] =	ssyncset.done $0x0  }
0x3e: {  	s23 =	simm.s32 $0x0;
	[sflag:s5] =	ssyncadd.s32 $0xFFFFC000  }
0x3f: {  	s21 =	sor.u32 $0x8070, s21;
	v7 =	vld.idx.msk [tilespmem:v1+s23+$0x30 ss:$0x1], $0xffff  }
0x40: {  	v0 =	vmov s21;
	v8 =	vld.idx.msk [tilespmem:v1+s23+$0xFFFFFFC0 ss:$0x1], $0xffff  }
0x41: {  	v6 =	vld.idx.msk [tilespmem:v1+s23+$0xFFFFFFD0 ss:$0x1], $0xffff  }
0x42: {  	v4 =	vld.idx.msk [tilespmem:v1+s23+$0xFFFFFFE0 ss:$0x1], $0xffff  }
0x43: {  	v2 =	vld.idx.msk [tilespmem:v1+s23+$0xFFFFFFF0 ss:$0x1], $0xffff  }
0x44: {  	s31 =	sshll.u32 s16, $0xE;
	v3 =	vld.idx.msk [tilespmem:v1+s23+$0x0 ss:$0x1], $0xffff  }
0x45: {  	s21 =	sand.u32 $0x4000, s31;
	v5 =	vld.idx.msk [tilespmem:v1+s23+$0x10 ss:$0x1], $0xffff;
	[tilespmem:v0+s23+$0x0 ss:$0x1] =	vst.idx.msk $0xffff, v7  }
0x46: {  	s24 =	simm.s32 $0x400;
	s22 =	simm.s32 $0x80;
	s21 =	sor.u32 $0x8000, s21;
	[tilespmem:v0+s23+$0xFFFFFF90 ss:$0x1] =	vst.idx.msk $0xffff, v8;
	v7 =	vld.idx.msk [tilespmem:v1+s23+$0x20 ss:$0x1], $0xffff  }
.LBB1_3:
0x47: {  	p0 =	sne.s32 s24, $0xFE00;
	v8 =	vld.idx.msk [tilespmem:v1+s22+$0x30 ss:$0x1], $0xffff;
	[tilespmem:v0+s23+$0xFFFFFFA0 ss:$0x1] =	vst.idx.msk $0xffff, v6  }
0x48: {  	v9 =	vld.idx.msk [tilespmem:v1+s22+$0xFFFFFFC0 ss:$0x1], $0xffff;
	[tilespmem:v0+s23+$0xFFFFFFB0 ss:$0x1] =	vst.idx.msk $0xffff, v4  }
0x49: {  	v6 =	vld.idx.msk [tilespmem:v1+s22+$0xFFFFFFD0 ss:$0x1], $0xffff;
	[tilespmem:v0+s23+$0xFFFFFFC0 ss:$0x1] =	vst.idx.msk $0xffff, v2  }
.Ltmp3:
0x4a: {  	v4 =	vld.idx.msk [tilespmem:v1+s22+$0xFFFFFFE0 ss:$0x1], $0xffff;
	[tilespmem:v0+s23+$0xFFFFFFD0 ss:$0x1] =	vst.idx.msk $0xffff, v3;
	(pc) =	sbr.rel @p0 .LBB1_3-.Ltmp3, $4  }
0x4b: {  	v2 =	vld.idx.msk [tilespmem:v1+s22+$0xFFFFFFF0 ss:$0x1], $0xffff;
	[tilespmem:v0+s23+$0xFFFFFFE0 ss:$0x1] =	vst.idx.msk $0xffff, v5  }
0x4c: {  	v3 =	vld.idx.msk [tilespmem:v1+s22+$0x0 ss:$0x1], $0xffff;
	[tilespmem:v0+s23+$0xFFFFFFF0 ss:$0x1] =	vst.idx.msk $0xffff, v7;
	s23 =	smov.u32 s22  }
0x4d: {  	v5 =	vld.idx.msk [tilespmem:v1+s23+$0x10 ss:$0x1], $0xffff;
	[tilespmem:v0+s23+$0x0 ss:$0x1] =	vst.idx.msk $0xffff, v8  }
0x4e: {  	s22 =	sshra.s32 s24, $0x2;
	s24 =	sadd.s32 $0x200, s24;
	[tilespmem:v0+s23+$0xFFFFFF90 ss:$0x1] =	vst.idx.msk $0xffff, v9;
	v7 =	vld.idx.msk [tilespmem:v1+s23+$0x20 ss:$0x1], $0xffff  }
.Ltmp4:
0x4f: {  	_ = 	snop;
	(pc) =	sbr.rel .LBB1_4-.Ltmp4, $1  }
0x50: {  	_ =	sdelay $0x3  }
.LBB1_6:
0x51: {  	_ =	sfence.sel $0x180000  }
0x52: {  	s1 =	simm.s32 $0x1;
	[bflag:$0x0] =	sbarrier.arrive $0xFFFF  }
0x53: {  	s31 =	simm.s32 $0x2;
	[sflag:s1] =	ssyncpa.u1 $0x1  }
0x54: {  	[sflag:s31] =	ssyncpa.u1 $0x1  }
0x55: {  	p0 =	sne.s32 s0, $0x0;
	_ =	strace $0x9000004A  }
0x56: {  	s0 =	sadd.s32 @!p0 $0x100000, s2;
	[bflag:$0x2] =	sbarrier.arrive $0xFFFF  }
0x57: {  	[sflag:s0] =	ssyncadd.tile.s32 @!p0 $0x1;
	_ =	shalt  }
.Lfunc_end1:
_tile_overlayer_lowered:
.L_overlay_start_2:
0x58: {  	(tag) =	ssettag $0x2  }
0x59: {  	s0 =	rddreg [dreg:$0x0];
	s2 =	stileid.u32  }
0x5a: {  	s1 =	rddreg [dreg:$0x1];
	p0 =	sne.s32 s2, $0x0  }
0x5b: {  	s3 =	rddreg [dreg:$0x2];
	[bflag:$0x3] =	sbarrier.arrive $0xFFFF;
	s2 =	simm.s32 @!p0 $0x1C01  }
0x5c: {  	[timem:s3], [sflag:s2] =	dma.local @!p0 [hbm:s0], s1  }
0x5d: {  	s0 =	simm.s32 @!p0 $0x1  }
0x5e: {  	_ =	swait.ge @!p0 [sflag:s0], s1  }
0x5f: {  	s1 =	ssub.s32 @!p0 $0x0, s1;
	[sflag:s0] =	ssyncset.done @!p0 $0x0  }
0x60: {  	[sflag:s0] =	ssyncadd.s32 @!p0 s1  }
0x61: {  	[bflag:$0x3] =	sbarrier.arrive $0xFFFF  }
0x62: {  	_ =	shalt  }

// kernel: sparse-core-data-format-call.2.cloned.1.call-start
scs
called_computation.2_lowered:
.L_overlay_start_0:
0x0: {  	s2 =	sld [smem:$0x3FD9]  }
0x1: {  	s3 =	sld [smem:$0x3FFE];
	_ =	sdelay $0x1  }
0x2: {  	s1 =	srdreg.scid  }
0x3: {  	s0 =	sand.u32 $0x1, s1  }
0x4: {  	s15 =	sshll.u32 s0, $0xA;
	s2 =	sadd.s32 s3, s2  }
0x5: {  	s2 =	sadd.s32 s2, s15  }
0x6: {  	[smem:$0x3FC5] =	sst s2  }
0x7: {  	_ = 	snop  }
0x8: {  	s2 =	sld [smem:$0x3FD0];
	_ =	sdelay $0x2  }
0x9: {  	s16 =	simm.s32 $0xA;
	s4 =	simm.s32 $0x10  }
0xa: {  	[smem:s4], [sflag:s16] =	dma.local [hbm:s2], $0x1  }
0xb: {  	_ =	swait.eq [sflag:s16], $0x1  }
0xc: {  	[sflag:s16] =	ssyncset.done $0x0  }
0xd: {  	[sflag:s16] =	ssyncadd.s32 $0xFFFFFFFF  }
0xe: {  	s17 =	sld [smem:$0x10];
	(tm) =	ssettm $0x1  }
0xf: {  	s18 =	sld [smem:$0x3FFB];
	_ =	sdelay $0x3  }
0x10: {  	_ =	strace s18  }
0x11: {  	s3 =	sld [smem:$0x3FFC];
	_ =	sdelay $0x3  }
0x12: {  	_ =	strace s3  }
0x13: {  	s3 =	sld [smem:$0x3FFD];
	_ =	sdelay $0x3  }
0x14: {  	_ =	strace s3  }
0x15: {  	_ =	strace $0x8FFFFFFF  }
0x16: {  	s19 =	sld [smem:$0x3FDB];
	_ =	sdelay $0x1  }
0x17: {  	s20 =	simm.s32 $_scs_section_size  }
0x18: {  	s5 =	simm.s32 $_size__tile_overlayer_lowered;
	s6 =	simm.s32 $_tile_overlayer_lowered  }
0x19: {  	s23 =	simm.s32 $0x1BFF;
	s22 =	sshll.u32 s6, $0x1;
	s3 =	sadd.s32 s20, s19  }
0x1a: {  	s7 =	simm.s32 $0x0;
	s21 =	sshll.u32 s5, $0x1;
	s5 =	sadd.s32 s22, s3  }
0x1b: {  	[timem:s7], [sflag:s23] =	dma.local [hbm:s5], s21  }
0x1c: {  	_ =	swait.ge [sflag:s23], s21  }
0x1d: {  	s4 =	ssub.s32 $0x0, s21;
	[sflag:s23] =	ssyncset.done $0x0  }
0x1e: {  	[sflag:s23] =	ssyncadd.s32 s4;
	_ =	sdelay $0x1  }
0x1f: {  	s24 =	simm.s32 $0x1B8B  }
0x20: {  	_ =	swait.ge [sflag:s24], $0x1  }
0x21: {  	[sflag:s24] =	ssyncset.done $0x0  }
0x22: {  	s26 =	simm.s32 $0x1B8E;
	s25 =	sld [smem:$0x3FFE];
	[sflag:s24] =	ssyncadd.s32 $0xFFFFFFFF  }
0x23: {  	s27 =	simm.s32 $execute0_lowered;
	[smem:$0x3FD2] =	sst s26  }
0x24: {  	s5 =	sshll.u32 s27, $0x1;
	_ =	strace $0x80000046;
	[dreg:$0x1] =	wrdreg $0xFFFFFFFF  }
0x25: {  	s28 =	simm.s32 $_size_execute0_lowered;
	s3 =	sadd.s32 s3, s5;
	[dreg:$0x0] =	wrdreg $0x0  }
0x26: {  	s5 =	sshll.u32 s28, $0x1;
	[dreg:$0x2] =	wrdreg s3  }
0x27: {  	[dreg:$0x3] =	wrdreg s5  }
0x28: {  	[dreg:$0x4] =	wrdreg $0xC0  }
0x29: {  	_ =	task [dreg:s7], $0x5FFFF  }
0x2a: {  	[dreg:$0x1] =	wrdreg $0xFFFFFFFF  }
0x2b: {  	[dreg:$0x0] =	wrdreg $0x60  }
0x2c: {  	[dreg:$0x2] =	wrdreg s25  }
0x2d: {  	[dreg:$0x3] =	wrdreg s17  }
0x2e: {  	[dreg:$0x4] =	wrdreg $0x9  }
0x2f: {  	_ =	task.clear_ibuf [dreg:s7], $0x5FFFF;
	_ =	strace $0x90000046  }
0x30: {  	s29 =	simm.s32 $0x9;
	_ =	strace $0x80000048  }
0x31: {  	_ =	swait.ge [sflag:s29], $0x1  }
0x32: {  	[sflag:s29] =	ssyncadd.s32 $0xFFFFFFFF  }
0x33: {  	_ =	strace $0x90000048  }
0x34: {  	_ =	sfence  }
0x35: {  	s30 =	sld [smem:$0x0];
	_ =	sdelay $0x2  }
0x36: {  	s31 =	sshll.u32 s1, $0xD;
	s1 =	sshrl.u32 s1, $0x2  }
0x37: {  	s3 =	sand.u32 $0x4000, s31;
	s1 =	sadd.s32 s1, s30  }
0x38: {  	s0 =	sor.u32 s3, s0;
	s1 =	sshll.u32 s1, $0x11  }
0x39: {  	s0 =	sor.u32 s1, s0  }
0x3a: {  	s0 =	sadd.s32 $0x8F2B, s0  }
0x3b: {  	[sflag:s0] =	ssyncadd.remote.s32 $0x1  }
0x3c: {  	_ =	sfence.sel $0xFFFF  }
0x3d: {  	[dreg:$0x0] =	wrdreg $0xFFFFFFFF;
	(pc) =	sbr.abs _section_cstart, $3  }
0x3e: {  	[dreg:$0x1] =	wrdreg $0xFFFFFFFF  }
0x3f: {  	_ =	task.clear_ibuf [dreg:s7], $0x2FFFF;
	_ =	strace $0x9FFFFFFF  }
0x40: {  	(tm) =	ssettm $0x7FFFFFFF  }
0x41: {  	_ =	shalt  }
tec
execute0_lowered:
.L_overlay_start_1:
0x0: {  	(tag) =	ssettag $0x1  }
0x1: {  	s9 =	rddreg [dreg:$0x0]  }
0x2: {  	s0 =	srdreg.scid;
	s3 =	rddreg [dreg:$0x1];
	s6 =	simm.s32 $0x1  }
0x3: {  	s7 =	simm.s32 $0x2;
	s19 =	simm.s32 $0x0;
	s11 =	simm.s32 $0x100000  }
0x4: {  	s21 =	simm.s32 $0x0;
	s20 =	simm.s32 $0x0;
	s1 =	sshll.u32 s0, $0x4  }
0x5: {  	s12 =	simm.s32 $0x0;
	s0 =	stileid.u32;
	s1 =	sand.u32 $0x10, s1  }
0x6: {  	s13 =	simm.s32 $0x0;
	s14 =	simm.s32 $0x0;
	s1 =	sor.u32 s0, s1  }
0x7: {  	s15 =	simm.s32 $0x0;
	s16 =	simm.s32 $0x0;
	s2 =	sshll.u32 s1, $0x2  }
0x8: {  	s18 =	simm.s32 $0x0;
	s8 =	sadd.s32 $0x21200, s9;
	s5 =	ssub.s32 $0x400, s2  }
0x9: {  	s1 =	rddreg [dreg:$0x2];
	_ =	strace $0x80000047;
	s4 =	sand.u32 $0x7C, s5  }
.Ltmp0:
0xa: {  	s17 =	smov.u32 s2;
	p0 =	sne.s32 s4, $0x0;
	(pc) =	sbr.rel .LBB1_1-.Ltmp0, $4  }
0xb: {  	s5 =	sshrl.u32 s5, $0x7;
	s4 =	simm.s32 $0x1;
	s6 =	simm.s32 @!p0 $0x0  }
0xc: {  	[sflag:s4] =	ssyncpa.u1 $0x0;
	p0 =	por $0x0, $0x0;
	s6 =	sadd.s32 s6, s5  }
0xd: {  	s5 =	sadd.s32 $0x1200, s9;
	[sflag:s7] =	ssyncpa.u1 $0x0;
	s6 =	sshll.u32 s6, $0x5  }
0xe: {  	s7 =	sadd.s32 $0x11200, s9;
	s9 =	sadd.s32 $0x31200, s9;
	s10 =	sor.u32 $0x1, s6  }
.LBB1_7:
0xf: {  	p1 =	slt.u32 s18, $0x2  }
0x10: {  	p2 =	sgt.s32 @!p1 s21, $0x3;
	s23 =	sshra.s32 @!p1 s21, $0x1F  }
0x11: {  	s22 =	smov.u32 s21;
	p2 =	por !p2, p1;
	s21 =	sand.u32 @!p1 s23, s21  }
0x12: {  	s23 =	sshra.s32 @!p1 s20, $0x1F;
	s22 =	simm.s32 @p2 $0x3;
	p2 =	sgt.s32 @!p1 s20, $0x3FC  }
0x13: {  	s21 =	ssub.s32 @!p1 s22, s21;
	p2 =	por !p2, p1;
	s22 =	smov.u32 s20  }
0x14: {  	s20 =	sand.u32 @!p1 s23, s20;
	s23 =	smov.u32 s19;
	s21 =	sadd.s32 @!p1 $0xFFFFFFFD, s21  }
0x15: {  	s22 =	simm.s32 @p2 $0x3FC;
	p2 =	sgt.s32 @!p1 s19, $0x380;
	p3 =	sgt.s32 @!p1 s21, $0x0  }
0x16: {  	s21 =	sshll.u32 @!p1 s21, $0x2;
	s20 =	ssub.s32 @!p1 s22, s20;
	p2 =	por !p2, p1  }
0x17: {  	s21 =	ssub.s32 @!p1 $0x4, s21;
	p3 =	por !p3, p1;
	s22 =	sadd.s32 @!p1 $0xFFFFFC04, s20  }
0x18: {  	s23 =	simm.s32 @p2 $0x380;
	p2 =	sgt.s32 @!p1 s22, $0x3;
	s22 =	sshra.s32 @!p1 s19, $0x1F  }
0x19: {  	s20 =	ssub.s32 @!p1 $0x400, s20;
	p2 =	por !p2, p1;
	s19 =	sand.u32 @!p1 s22, s19  }
0x1a: {  	s21 =	simm.s32 @!p3 $0x0;
	s20 =	simm.s32 @!p2 $0x0;
	s19 =	ssub.s32 @!p1 s23, s19  }
0x1b: {  	s22 =	sadd.s32 $0x80, s15;
	s20 =	smul.u32 @!p1 s20, s21;
	s21 =	sadd.s32 @!p1 $0xFFFFFC80, s19  }
0x1c: {  	p3 =	sgt.s32 s22, $0x3FF;
	p2 =	sgt.s32 @!p1 s21, $0x7F;
	s21 =	simm.s32 $0x1  }
0x1d: {  	s19 =	ssub.s32 @!p1 $0x400, s19;
	p2 =	por !p2, p1;
	s21 =	simm.s32 @!p3 $0x0  }
0x1e: {  	s24 =	smov.u32 s17;
	s19 =	simm.s32 @!p2 $0x0;
	s23 =	sadd.s32 s21, s16  }
0x1f: {  	s19 =	smul.u32 @!p1 s19, s20;
	p2 =	sgt.s32 s23, $0x3;
	s20 =	sadd.s32 $0x80, s17  }
0x20: {  	p0 =	por !p0, !p0;
	s25 =	simm.s32 @!p1 $0x2;
	s24 =	smov.u32 @p2 s20  }
0x21: {  	s22 =	simm.s32 @p3 $0x0;
	s23 =	simm.s32 @p2 $0x0;
	p2 =	sgt.s32 s24, $0x3FF  }
0x22: {  	s21 =	smov.u32 s13;
	s24 =	smov.u32 @p2 s2;
	p2 =	sne.s32 s18, s10  }
.Ltmp1:
0x23: {  	s13 =	smov.u32 s16;
	s20 =	smov.u32 s14;
	(pc) =	sbr.rel @!p2 .LBB1_8-.Ltmp1, $4  }
0x24: {  	s14 =	smov.u32 s17;
	s19 =	sand.u32 @!p1 $0x3FFFFFFC, s19;
	s16 =	smov.u32 s23  }
0x25: {  	_ =	swait.ge @!p1 [sflag:s25], s19;
	s26 =	ssub.s32 @!p1 $0x0, s19;
	s19 =	smov.u32 s12  }
0x26: {  	s18 =	sadd.s32 $0x1, s18;
	s12 =	smov.u32 s15;
	[sflag:s25] =	ssyncset.done @!p1 $0x0  }
0x27: {  	s15 =	smov.u32 s22;
	s17 =	smov.u32 s24;
	[sflag:s25] =	ssyncadd.s32 @!p1 s26  }
.LBB1_1:
0x28: {  	p1 =	sge.u32 s18, s6  }
0x29: {  	s22 =	sxor.u32 @!p1 $0xFFFFFFFF, s18;
	s23 =	sshll.u32 @!p1 s17, $0x10;
	s24 =	sshll.u32 @!p1 s16, $0xE  }
0x2a: {  	s26 =	sshll.u32 @!p1 s15, $0x4;
	s27 =	simm.s32 @!p1 $0x20;
	s25 =	sadd.s32 @!p1 s23, s24  }
0x2b: {  	s22 =	sshll.u32 @!p1 s22, $0xE;
	s26 =	sand.u32 @!p1 $0x3FF0, s26;
	s25 =	sadd.s32 @!p1 s5, s25  }
0x2c: {  	s28 =	simm.s32 @!p1 $0x80;
	s22 =	sand.u32 @!p1 $0x4000, s22;
	s25 =	sadd.s32 @!p1 s26, s25  }
0x2d: {  	[tilespmem:s22], [sflag:$0x1] =	stream.strided.gather @!p1 [hbm4b:s25+s27], $0x1000, s28, s27, $0x38;
	[tilespmem:$0x10100] =	vst v63  }
0x2e: {  	s25 =	sadd.s32 @!p1 s23, s7  }
0x2f: {  	s25 =	sadd.s32 @!p1 s24, s25  }
0x30: {  	s29 =	sor.u32 @!p1 $0x1000, s22;
	s25 =	sadd.s32 @!p1 s26, s25  }
0x31: {  	[tilespmem:s29], [sflag:$0x1] =	stream.strided.gather @!p1 [hbm4b:s25+s27], $0x1000, s28, s27, $0x38;
	[tilespmem:$0x10100] =	vst v63  }
0x32: {  	s25 =	sadd.s32 @!p1 s23, s8  }
0x33: {  	s23 =	sadd.s32 @!p1 s23, s9;
	s25 =	sadd.s32 @!p1 s24, s25  }
0x34: {  	s29 =	sor.u32 @!p1 $0x2000, s22;
	s23 =	sadd.s32 @!p1 s24, s23;
	s25 =	sadd.s32 @!p1 s26, s25  }
0x35: {  	[tilespmem:s29], [sflag:$0x1] =	stream.strided.gather @!p1 [hbm4b:s25+s27], $0x1000, s28, s27, $0x38;
	[tilespmem:$0x10100] =	vst v63  }
0x36: {  	s31 =	sadd.s32 $0xFFFFFFFF, s18;
	s22 =	sor.u32 @!p1 $0x3000, s22;
	s23 =	sadd.s32 @!p1 s26, s23  }
0x37: {  	[tilespmem:s22], [sflag:$0x1] =	stream.strided.gather @!p1 [hbm4b:s23+s27], $0x1000, s28, s27, $0x38;
	[tilespmem:$0x10100] =	vst v63  }
0x38: {  	p1 =	sge.u32 s31, s6  }
.Ltmp2:
0x39: {  	_ = 	snop;
	(pc) =	sbr.rel @p1 .LBB1_7-.Ltmp2, $1  }
0x3a: {  	_ =	sdelay $0x3  }
0x3b: {  	s22 =	simm.s32 $0x1;
	s24 =	sand.u32 $0x1, s18  }
0x3c: {  	_ =	swait.ge [sflag:s4], $0x4000;
	s22 =	simm.s32 @!p0 $0x0;
	s25 =	smul.u32 $0x10200, s24  }
0x3d: {  	[sflag:s4] =	ssyncset.done $0x0;
	s23 =	smul.u32 $0x10200, s22  }
0x3e: {  	s22 =	sshll.u32 s22, $0xE;
	[sflag:s4] =	ssyncadd.s32 $0xFFFFC000  }
0x3f: {  	s24 =	sor.u32 $0x10, s22;
	s31 =	sshrl.u32 s25, $0x2;
	s23 =	sshrl.u32 s23, $0x2  }
0x40: {  	s25 =	simm.s32 $0x0;
	s22 =	sor.u32 $0x8000, s31;
	s23 =	sor.u32 $0x8000, s23  }
.LBB1_3:
0x41: {  	v1 =	vld [tilespmem:s24+$0x0]  }
0x42: {  	v0 =	vld [tilespmem:s24+$0xFFFFFFF0];
	_ =	sdelay $0x2  }
0x43: {  	s28 =	sadd.s32 $0x0, s23  }
0x44: {  	s26 =	simm.s32 $0x4;
	s27 =	sadd.s32 $0x20, s24;
	[tilespmem:s28+$0x2040 ss:$0x204] =	vst.msk $0xffff, v1  }
.LBB1_4:
0x45: {  	v1 =	vld [tilespmem:s27+$0x0];
	p1 =	sne.s32 s26, $0x1FC;
	[tilespmem:s28+$0x0 ss:$0x204] =	vst.msk $0xffff, v0;
	s28 =	smov.u32 s26;
	s26 =	sadd.s32 $0x4, s26  }
.Ltmp3:
0x46: {  	v0 =	vld [tilespmem:s27+$0xFFFFFFF0];
	(pc) =	sbr.rel @p1 .LBB1_4-.Ltmp3, $4  }
0x47: {  	_ = 	snop  }
0x48: {  	s28 =	sshra.s32 s28, $0x2  }
0x49: {  	s28 =	sadd.s32 s28, s23  }
0x4a: {  	s27 =	sadd.s32 $0x20, s27;
	[tilespmem:s28+$0x2040 ss:$0x204] =	vst.msk $0xffff, v1  }
0x4b: {  	s25 =	sadd.s32 $0x1, s25  }
0x4c: {  	p1 =	sne.s32 s25, $0x4  }
.Ltmp4:
0x4d: {  	_ = 	snop;
	(pc) =	sbr.rel @p1 .LBB1_3-.Ltmp4, $2  }
0x4e: {  	_ =	sdelay $0x2  }
0x4f: {  	[tilespmem:s28+$0x0 ss:$0x204] =	vst.msk $0xffff, v0;
	s23 =	sadd.s32 $0x81, s23;
	s24 =	sadd.s32 $0x1000, s24  }
0x50: {  	p1 =	sgt.s32 s13, $0x3;
	s23 =	smov.u32 s13  }
0x51: {  	s24 =	sshra.s32 s13, $0x1F;
	s26 =	sshra.s32 s14, $0x1F;
	s27 =	sshra.s32 s12, $0x1F  }
0x52: {  	s29 =	sand.u32 $0x78, s12;
	s23 =	simm.s32 @!p1 $0x3;
	s24 =	sand.u32 s24, s13  }
0x53: {  	p1 =	sgt.s32 s14, $0x3FC;
	s30 =	sand.u32 s26, s14;
	s23 =	ssub.s32 s23, s24  }
0x54: {  	s28 =	sand.u32 s27, s12;
	s24 =	smov.u32 s14;
	s23 =	sadd.s32 $0xFFFFFFFD, s23  }
0x55: {  	s24 =	simm.s32 @!p1 $0x3FC;
	s25 =	sshll.u32 s23, $0x2;
	p1 =	sgt.s32 s23, $0x0  }
0x56: {  	s24 =	ssub.s32 s24, s30;
	s30 =	sshll.u32 s14, $0x7;
	s23 =	ssub.s32 $0x4, s25  }
0x57: {  	s25 =	smov.u32 s12;
	s31 =	sadd.s32 $0xFFFFFC04, s24;
	s24 =	ssub.s32 $0x400, s24  }
0x58: {  	s26 =	sand.u32 $0x1FC00, s30;
	s23 =	simm.s32 @p1 $0x0;
	p1 =	sgt.s32 s12, $0x380  }
0x59: {  	s26 =	sadd.s32 s12, s26;
	s25 =	simm.s32 @!p1 $0x380;
	p1 =	sgt.s32 s31, $0x3  }
0x5a: {  	s24 =	simm.s32 @p1 $0x0;
	s25 =	ssub.s32 s25, s28;
	s28 =	sand.u32 $0x380, s30  }
0x5b: {  	s30 =	sand.u32 $0x7, s12;
	s23 =	smul.u32 s24, s23;
	s31 =	sadd.s32 $0xFFFFFC80, s25  }
0x5c: {  	s25 =	ssub.s32 $0x400, s25;
	s24 =	sor.u32 s28, s29;
	p1 =	sgt.s32 s31, $0x7F  }
.Ltmp5:
0x5d: {  	s29 =	sshll.u32 s13, $0x13;
	s25 =	simm.s32 @p1 $0x0;
	(pc) =	sbr.rel .LBB1_7-.Ltmp5, $4  }
0x5e: {  	s24 =	sshrl.u32 s24, $0x3;
	s23 =	smul.u32 s25, s23;
	s25 =	sadd.s32 s3, s29  }
0x5f: {  	s26 =	sand.u32 $0x1FF80, s26;
	s31 =	sshll.u32 s30, $0x12;
	s24 =	sadd.s32 s24, s25  }
0x60: {  	s25 =	sor.u32 $0x200, s31;
	s23 =	sand.u32 $0x3FFFFFFC, s23;
	s24 =	sadd.s32 s26, s24  }
0x61: {  	[hbm4b:s24+s25] =	stream.strided.scatter [tilespmem:s22], [sflag:$0x2], s23, s11, s25, $0x20;
	[tilespmem:$0x10100] =	vst v63  }
.LBB1_8:
0x62: {  	_ =	sfence.sel $0x180000  }
0x63: {  	s2 =	simm.s32 $0x1;
	[bflag:$0x0] =	sbarrier.arrive $0xFFFF  }
0x64: {  	s31 =	simm.s32 $0x2;
	[sflag:s2] =	ssyncpa.u1 $0x1  }
0x65: {  	[sflag:s31] =	ssyncpa.u1 $0x1  }
0x66: {  	p0 =	sne.s32 s0, $0x0;
	_ =	strace $0x90000047  }
0x67: {  	s0 =	sadd.s32 @!p0 $0x100000, s1;
	[bflag:$0x2] =	sbarrier.arrive $0xFFFF  }
0x68: {  	[sflag:s0] =	ssyncadd.tile.s32 @!p0 $0x1;
	_ =	shalt  }
.Lfunc_end1:
_tile_overlayer_lowered:
.L_overlay_start_2:
0x69: {  	(tag) =	ssettag $0x2  }
0x6a: {  	s0 =	rddreg [dreg:$0x0];
	s2 =	stileid.u32  }
0x6b: {  	s1 =	rddreg [dreg:$0x1];
	p0 =	sne.s32 s2, $0x0  }
0x6c: {  	s3 =	rddreg [dreg:$0x2];
	[bflag:$0x3] =	sbarrier.arrive $0xFFFF;
	s2 =	simm.s32 @!p0 $0x1C01  }
0x6d: {  	[timem:s3], [sflag:s2] =	dma.local @!p0 [hbm:s0], s1  }
0x6e: {  	s0 =	simm.s32 @!p0 $0x1  }
0x6f: {  	_ =	swait.ge @!p0 [sflag:s0], s1  }
0x70: {  	s1 =	ssub.s32 @!p0 $0x0, s1;
	[sflag:s0] =	ssyncset.done @!p0 $0x0  }
0x71: {  	[sflag:s0] =	ssyncadd.s32 @!p0 s1  }
0x72: {  	[bflag:$0x3] =	sbarrier.arrive $0xFFFF  }
0x73: {  	_ =	shalt  }

// kernel: sparse-core-data-format-call.cloned.1.call-start
scs
called_computation_lowered:
.L_overlay_start_0:
0x0: {  	s1 =	sld [smem:$0x3FD9]  }
0x1: {  	s2 =	sld [smem:$0x3FFE];
	_ =	sdelay $0x1  }
0x2: {  	s3 =	srdreg.scid  }
0x3: {  	s0 =	sand.u32 $0x1, s3  }
0x4: {  	s17 =	sshll.u32 s0, $0xA;
	s1 =	sadd.s32 s2, s1  }
0x5: {  	s1 =	sadd.s32 s1, s17  }
0x6: {  	[smem:$0x3FC5] =	sst s1  }
0x7: {  	_ = 	snop  }
0x8: {  	(tm) =	ssettm $0x1  }
0x9: {  	s18 =	sld [smem:$0x3FFB];
	_ =	sdelay $0x3  }
0xa: {  	_ =	strace s18  }
0xb: {  	s1 =	sld [smem:$0x3FFC];
	_ =	sdelay $0x3  }
0xc: {  	_ =	strace s1  }
0xd: {  	s1 =	sld [smem:$0x3FFD];
	_ =	sdelay $0x3  }
0xe: {  	_ =	strace s1  }
0xf: {  	_ =	strace $0x8FFFFFFF  }
0x10: {  	s19 =	sld [smem:$0x3FDB];
	_ =	sdelay $0x1  }
0x11: {  	s20 =	simm.s32 $_scs_section_size  }
0x12: {  	s4 =	simm.s32 $_size__tile_overlayer_lowered;
	s5 =	simm.s32 $_tile_overlayer_lowered  }
0x13: {  	s23 =	simm.s32 $0x1BFF;
	s22 =	sshll.u32 s5, $0x1;
	s1 =	sadd.s32 s20, s19  }
0x14: {  	s6 =	simm.s32 $0x0;
	s21 =	sshll.u32 s4, $0x1;
	s4 =	sadd.s32 s22, s1  }
0x15: {  	[timem:s6], [sflag:s23] =	dma.local [hbm:s4], s21  }
0x16: {  	_ =	swait.ge [sflag:s23], s21  }
0x17: {  	s2 =	ssub.s32 $0x0, s21;
	[sflag:s23] =	ssyncset.done $0x0  }
0x18: {  	[sflag:s23] =	ssyncadd.s32 s2;
	_ =	sdelay $0x1  }
0x19: {  	s24 =	simm.s32 $0x1B8B  }
0x1a: {  	_ =	swait.ge [sflag:s24], $0x1  }
0x1b: {  	[sflag:s24] =	ssyncset.done $0x0  }
0x1c: {  	s26 =	simm.s32 $0x1B8E;
	s25 =	sld [smem:$0x3FFE];
	[sflag:s24] =	ssyncadd.s32 $0xFFFFFFFF  }
0x1d: {  	s27 =	simm.s32 $execute0_lowered;
	[smem:$0x3FD2] =	sst s26  }
0x1e: {  	s4 =	sshll.u32 s27, $0x1;
	_ =	strace $0x8000004C;
	[dreg:$0x1] =	wrdreg $0xFFFFFFFF  }
0x1f: {  	s28 =	simm.s32 $_size_execute0_lowered;
	s1 =	sadd.s32 s1, s4;
	[dreg:$0x0] =	wrdreg $0x0  }
0x20: {  	s4 =	sshll.u32 s28, $0x1;
	[dreg:$0x2] =	wrdreg s1  }
0x21: {  	[dreg:$0x3] =	wrdreg s4  }
0x22: {  	[dreg:$0x4] =	wrdreg $0xC0  }
0x23: {  	_ =	task [dreg:s6], $0x5FFFF  }
0x24: {  	[dreg:$0x1] =	wrdreg $0xFFFFFFFF  }
0x25: {  	[dreg:$0x0] =	wrdreg $0x60  }
0x26: {  	[dreg:$0x2] =	wrdreg s25  }
0x27: {  	[dreg:$0x3] =	wrdreg $0x9  }
0x28: {  	_ =	task.clear_ibuf [dreg:s6], $0x4FFFF;
	_ =	strace $0x9000004C  }
0x29: {  	s29 =	simm.s32 $0x9;
	_ =	strace $0x8000004E  }
0x2a: {  	_ =	swait.ge [sflag:s29], $0x1  }
0x2b: {  	[sflag:s29] =	ssyncadd.s32 $0xFFFFFFFF  }
0x2c: {  	_ =	strace $0x9000004E  }
0x2d: {  	_ =	sfence  }
0x2e: {  	s30 =	sld [smem:$0x0];
	_ =	sdelay $0x2  }
0x2f: {  	s31 =	sshll.u32 s3, $0xD;
	s3 =	sshrl.u32 s3, $0x2  }
0x30: {  	s2 =	sand.u32 $0x4000, s31;
	s1 =	sadd.s32 s3, s30  }
0x31: {  	s0 =	sor.u32 s2, s0;
	s1 =	sshll.u32 s1, $0x11  }
0x32: {  	s0 =	sor.u32 s1, s0  }
0x33: {  	s0 =	sadd.s32 $0x8F2B, s0  }
0x34: {  	[sflag:s0] =	ssyncadd.remote.s32 $0x1  }
0x35: {  	_ =	sfence.sel $0xFFFF  }
0x36: {  	[dreg:$0x0] =	wrdreg $0xFFFFFFFF;
	(pc) =	sbr.abs _section_cstart, $3  }
0x37: {  	[dreg:$0x1] =	wrdreg $0xFFFFFFFF  }
0x38: {  	_ =	task.clear_ibuf [dreg:s6], $0x2FFFF;
	_ =	strace $0x9FFFFFFF  }
0x39: {  	(tm) =	ssettm $0x7FFFFFFF  }
tec
execute0_lowered:
.L_overlay_start_1:
0x0: {  	(tag) =	ssettag $0x1  }
0x1: {  	s0 =	rddreg [dreg:$0x0];
	s3 =	stileid.u32  }
0x2: {  	s1 =	srdreg.scid;
	_ =	strace $0x8000004D;
	s6 =	simm.s32 $0x1  }
0x3: {  	s24 =	simm.s32 $0x2;
	s16 =	simm.s32 $0x80;
	s17 =	simm.s32 $0x0  }
0x4: {  	s23 =	simm.s32 $0x0;
	s27 =	simm.s32 $0x0;
	s18 =	simm.s32 $0x0  }
0x5: {  	s20 =	simm.s32 $0x0;
	s22 =	simm.s32 $0x0;
	s29 =	simm.s32 $0x0  }
0x6: {  	s2 =	sshll.u32 s3, $0x1;
	s1 =	sshll.u32 s1, $0x5;
	s4 =	sadd.s32 $0x401200, s0  }
0x7: {  	s5 =	sand.u32 $0x3, s3;
	[sflag:s6] =	ssyncpa.u1 $0x0;
	s25 =	sadd.s32 $0x411200, s0  }
0x8: {  	s3 =	simm.s32 $0x1;
	s26 =	sadd.s32 $0x421200, s0;
	s28 =	sadd.s32 $0x431200, s0  }
0x9: {  	s30 =	sadd.s32 $0x441200, s0;
	s31 =	sadd.s32 $0x451200, s0;
	[dreg:$0x2] =	wrdreg s4  }
0xa: {  	s13 =	sadd.s32 $0x461200, s0;
	s1 =	sor.u32 s2, s1;
	[dreg:$0x3] =	wrdreg s25  }
0xb: {  	s14 =	sadd.s32 $0x471200, s0;
	[dreg:$0x4] =	wrdreg s26;
	s4 =	sand.u32 $0x38, s1  }
0xc: {  	s2 =	sadd.s32 $0x1200, s0;
	[dreg:$0x5] =	wrdreg s28;
	s1 =	ssub.s32 $0x400, s4  }
.Ltmp0:
0xd: {  	[dreg:$0x6] =	wrdreg s30;
	s7 =	sand.u32 $0x38, s1;
	(pc) =	sbr.rel .LBB1_1-.Ltmp0, $4  }
0xe: {  	[sflag:s24] =	ssyncpa.u1 $0x0;
	[dreg:$0x7] =	wrdreg s31;
	p0 =	sne.s32 s7, $0x0  }
0xf: {  	s26 =	simm.s32 $0x0;
	s1 =	sshrl.u32 s1, $0x6;
	s3 =	simm.s32 @!p0 $0x0  }
0x10: {  	s24 =	simm.s32 $0x0;
	s21 =	smov.u32 s5;
	s1 =	sadd.s32 s3, s1  }
0x11: {  	s19 =	smov.u32 s4;
	s10 =	sshll.u32 s1, $0x1;
	s15 =	sshllo.u32 s1, $0x1  }
.LBB1_7:
0x12: {  	s0 =	sadd.s32 $0x200, s18  }
0x13: {  	s1 =	sadd.s32 $0x40, s19;
	s3 =	smov.u32 s19;
	p1 =	sgt.s32 s0, $0x3FF  }
0x14: {  	s3 =	smov.u32 @p1 s1  }
0x15: {  	s7 =	smov.u32 s20;
	s1 =	sadd.s32 $0x4, s20;
	p2 =	sgt.s32 s3, $0x3FF  }
0x16: {  	s7 =	smov.u32 @p2 s1  }
0x17: {  	s8 =	smov.u32 s21;
	s1 =	sadd.s32 $0x4, s21;
	p3 =	sgt.s32 s7, $0x3  }
0x18: {  	p0 =	slt.u32 s22, $0x2;
	s8 =	smov.u32 @p3 s1  }
0x19: {  	s26 =	smov.u32 s18;
	s0 =	simm.s32 @p1 $0x0;
	p1 =	sgt.s32 s8, $0x3  }
0x1a: {  	s24 =	smov.u32 s19;
	s8 =	smov.u32 @p1 s5;
	p1 =	sne.s32 s22, s15  }
.Ltmp1:
0x1b: {  	s23 =	smov.u32 s20;
	s27 =	smov.u32 s21;
	(pc) =	sbr.rel @!p1 .LBB1_8-.Ltmp1, $4  }
0x1c: {  	s17 =	sadd.s32 $0x4000, s17;
	s18 =	smov.u32 s0;
	s1 =	simm.s32 @!p0 $0x2  }
0x1d: {  	s3 =	smov.u32 @p2 s4;
	s7 =	simm.s32 @p3 $0x0;
	_ =	swait.ge @!p0 [sflag:s1], $0x4000  }
0x1e: {  	s19 =	smov.u32 s3;
	s20 =	smov.u32 s7;
	[sflag:s1] =	ssyncset.done @!p0 $0x0  }
0x1f: {  	s22 =	sadd.s32 $0x1, s22;
	[sflag:s1] =	ssyncadd.s32 @!p0 $0xFFFFC000;
	s21 =	smov.u32 s8  }
.LBB1_1:
0x20: {  	p0 =	sge.u32 s22, s10;
	s31 =	sadd.s32 $0xFFFFFFFF, s22  }
0x21: {  	s0 =	sxor.u32 @!p0 $0xFFFFFFFF, s22;
	s1 =	sshll.u32 @!p0 s19, $0x7;
	s3 =	sand.u32 @!p0 $0x78, s18  }
0x22: {  	s8 =	sshll.u32 @!p0 s20, $0x11;
	s0 =	sshll.u32 @!p0 s0, $0xE;
	s7 =	sand.u32 @!p0 $0x380, s1  }
0x23: {  	s1 =	sand.u32 @!p0 $0x1FC00, s1;
	s3 =	sor.u32 @!p0 s3, s7;
	s7 =	sshll.u32 @!p0 s21, $0x13  }
0x24: {  	s0 =	sand.u32 @!p0 $0x4000, s0;
	s1 =	sadd.s32 @!p0 s18, s1;
	s7 =	sadd.s32 @!p0 s2, s7  }
0x25: {  	s3 =	sshrl.u32 @!p0 s3, $0x3;
	s7 =	sadd.s32 @!p0 s8, s7;
	s8 =	sand.u32 @!p0 $0x7, s18  }
0x26: {  	s1 =	sand.u32 @!p0 $0x1FF80, s1;
	s3 =	sadd.s32 @!p0 s3, s7;
	s7 =	sshll.u32 @!p0 s8, $0x12  }
0x27: {  	s1 =	sadd.s32 @!p0 s1, s3;
	s3 =	sor.u32 @!p0 $0x1000, s7;
	s7 =	simm.s32 @!p0 $0x100000  }
0x28: {  	[tilespmem:s0], [sflag:$0x1] =	stream.strided.gather @!p0 [hbm4b:s1+s3], $0x4000, s7, s3, $0x38;
	[tilespmem:$0x10000] =	vst v63  }
0x29: {  	p0 =	sge.u32 s31, s10  }
.Ltmp2:
0x2a: {  	_ = 	snop;
	(pc) =	sbr.rel @p0 .LBB1_7-.Ltmp2, $1  }
0x2b: {  	_ =	sdelay $0x3  }
0x2c: {  	s0 =	sshll.u32 s17, $0x2  }
0x2d: {  	s0 =	sand.u32 $0x10000, s0  }
0x2e: {  	s30 =	sshrl.u32 s0, $0x2  }
0x2f: {  	v0 =	vmov s30;
	_ =	sdelay $0x1  }
0x30: {  	_ =	swait.ge [sflag:s6], $0x4000;
	s1 =	sshll.u32 s22, $0xE;
	s7 =	simm.s32 $0x8000  }
0x31: {  	s8 =	simm.s32 $0x0;
	[sflag:s6] =	ssyncset.done $0x0;
	s25 =	sand.u32 $0x4000, s1  }
0x32: {  	s1 =	simm.s32 $0x0;
	[sflag:s6] =	ssyncadd.s32 $0xFFFFC000;
	s28 =	sor.u32 $0x8000, s25  }
.LBB1_3:
0x33: {  	_ =	sdelay $0x3  }
0x34: {  	v5 =	vld.idx.msk [tilespmem:v0+s8+$0x0 ss:$0x1], $0xffff  }
0x35: {  	v6 =	vld.idx.msk [tilespmem:v0+s8+$0x10 ss:$0x1], $0xffff  }
0x36: {  	s0 =	sshll.u32 s1, $0xC;
	s12 =	sand.u32 $0x200, s29;
	v7 =	vld.idx.msk [tilespmem:v0+s8+$0x20 ss:$0x1], $0xffff  }
0x37: {  	s3 =	sand.u32 $0x180, s29;
	v1 =	vmov s0;
	s0 =	sadd.s32 s12, s25  }
0x38: {  	v8 =	vld.idx.msk [tilespmem:v0+s8+$0x30 ss:$0x1], $0xffff;
	s0 =	sadd.s32 s3, s0;
	s3 =	sadd.s32 s30, s7  }
0x39: {  	[tilespmem:s3+$0x0 ss:$0x4] =	vst.msk $0xffff, v5;
	v5 =	vld.idx.msk [tilespmem:v0+s8+$0x70 ss:$0x1], $0xffff  }
0x3a: {  	[tilespmem:s3+$0x40 ss:$0x4] =	vst.msk $0xffff, v6;
	v6 =	vld.idx.msk [tilespmem:v0+s8+$0x410 ss:$0x1], $0xffff  }
0x3b: {  	[tilespmem:s3+$0x80 ss:$0x4] =	vst.msk $0xffff, v7;
	v7 =	vld.idx.msk [tilespmem:v0+s8+$0x420 ss:$0x1], $0xffff  }
0x3c: {  	v2 =	vld.idx.msk [tilespmem:v1+s0+$0xC00 ss:$0x1], $0xffff  }
0x3d: {  	v3 =	vld.idx.msk [tilespmem:v1+s0+$0x400 ss:$0x1], $0xffff  }
0x3e: {  	[tilespmem:s3+$0xC0 ss:$0x4] =	vst.msk $0xffff, v8;
	v4 =	vld.idx.msk [tilespmem:v1+s0+$0x800 ss:$0x1], $0xffff  }
0x3f: {  	v8 =	vld.idx.msk [tilespmem:v0+s8+$0x850 ss:$0x1], $0xffff;
	[tilespmem:s3+$0x1C0 ss:$0x4] =	vst.msk $0xffff, v5  }
0x40: {  	v5 =	vld.idx.msk [tilespmem:v0+s8+$0x460 ss:$0x1], $0xffff;
	[tilespmem:s3+$0x240 ss:$0x4] =	vst.msk $0xffff, v6  }
0x41: {  	[tilespmem:s3+$0x600 ss:$0x4] =	vst.msk $0xffff, v2;
	v2 =	vld.idx.msk [tilespmem:v0+s8+$0x40 ss:$0x1], $0xffff  }
0x42: {  	[tilespmem:s3+$0x200 ss:$0x4] =	vst.msk $0xffff, v3;
	v3 =	vld.idx.msk [tilespmem:v0+s8+$0x50 ss:$0x1], $0xffff  }
0x43: {  	[tilespmem:s3+$0x400 ss:$0x4] =	vst.msk $0xffff, v4;
	v4 =	vld.idx.msk [tilespmem:v0+s8+$0x60 ss:$0x1], $0xffff  }
0x44: {  	v6 =	vld.idx.msk [tilespmem:v0+s8+$0x470 ss:$0x1], $0xffff;
	[tilespmem:s3+$0x280 ss:$0x4] =	vst.msk $0xffff, v7  }
0x45: {  	v7 =	vld.idx.msk [tilespmem:v0+s8+$0x810 ss:$0x1], $0xffff;
	[tilespmem:s3+$0x540 ss:$0x4] =	vst.msk $0xffff, v8  }
0x46: {  	[tilespmem:s3+$0x100 ss:$0x4] =	vst.msk $0xffff, v2;
	v2 =	vld.idx.msk [tilespmem:v0+s8+$0x430 ss:$0x1], $0xffff  }
0x47: {  	[tilespmem:s3+$0x140 ss:$0x4] =	vst.msk $0xffff, v3;
	v3 =	vld.idx.msk [tilespmem:v0+s8+$0x440 ss:$0x1], $0xffff  }
0x48: {  	[tilespmem:s3+$0x180 ss:$0x4] =	vst.msk $0xffff, v4;
	v4 =	vld.idx.msk [tilespmem:v0+s8+$0x450 ss:$0x1], $0xffff  }
0x49: {  	[tilespmem:s3+$0x3C0 ss:$0x4] =	vst.msk $0xffff, v6;
	v6 =	vld.idx.msk [tilespmem:v0+s8+$0x860 ss:$0x1], $0xffff  }
0x4a: {  	[tilespmem:s3+$0x440 ss:$0x4] =	vst.msk $0xffff, v7;
	v7 =	vld.idx.msk [tilespmem:v0+s8+$0x870 ss:$0x1], $0xffff  }
0x4b: {  	[tilespmem:s3+$0x2C0 ss:$0x4] =	vst.msk $0xffff, v2;
	v2 =	vld.idx.msk [tilespmem:v0+s8+$0x820 ss:$0x1], $0xffff  }
0x4c: {  	[tilespmem:s3+$0x300 ss:$0x4] =	vst.msk $0xffff, v3;
	v3 =	vld.idx.msk [tilespmem:v0+s8+$0x830 ss:$0x1], $0xffff  }
0x4d: {  	[tilespmem:s3+$0x340 ss:$0x4] =	vst.msk $0xffff, v4;
	v4 =	vld.idx.msk [tilespmem:v0+s8+$0x840 ss:$0x1], $0xffff  }
0x4e: {  	[tilespmem:s3+$0x380 ss:$0x4] =	vst.msk $0xffff, v5;
	v5 =	vld.idx.msk [tilespmem:v0+s8+$0xC10 ss:$0x1], $0xffff  }
0x4f: {  	[tilespmem:s3+$0x580 ss:$0x4] =	vst.msk $0xffff, v6;
	v6 =	vld.idx.msk [tilespmem:v0+s8+$0xC50 ss:$0x1], $0xffff  }
0x50: {  	[tilespmem:s3+$0x480 ss:$0x4] =	vst.msk $0xffff, v2;
	v2 =	vld.idx.msk [tilespmem:v0+s8+$0xC20 ss:$0x1], $0xffff  }
0x51: {  	s11 =	simm.s32 $0x80;
	s9 =	simm.s32 $0x100;
	[tilespmem:s3+$0x4C0 ss:$0x4] =	vst.msk $0xffff, v3;
	v3 =	vld.idx.msk [tilespmem:v0+s8+$0xC30 ss:$0x1], $0xffff  }
0x52: {  	s31 =	smov.u32 s7;
	s12 =	sand.u32 $0x200, s11;
	s0 =	smov.u32 s8;
	[tilespmem:s3+$0x500 ss:$0x4] =	vst.msk $0xffff, v4;
	v4 =	vld.idx.msk [tilespmem:v0+s8+$0xC40 ss:$0x1], $0xffff  }
.LBB1_4:
0x53: {  	p0 =	sne.s32 s9, $0x380;
	s11 =	sand.u32 $0x180, s11;
	s12 =	sadd.s32 s12, s25;
	[tilespmem:s3+$0x5C0 ss:$0x4] =	vst.msk $0xffff, v7;
	v7 =	vld.idx.msk [tilespmem:v0+s0+$0xC60 ss:$0x1], $0xffff  }
0x54: {  	s12 =	sadd.s32 s11, s12;
	[tilespmem:s3+$0x640 ss:$0x4] =	vst.msk $0xffff, v5;
	v5 =	vld.idx.msk [tilespmem:v0+s0+$0xC70 ss:$0x1], $0xffff;
	s11 =	smov.u32 s9  }
0x55: {  	v8 =	vld.idx.msk [tilespmem:v1+s12+$0xC00 ss:$0x1], $0xffff;
	[tilespmem:s3+$0x680 ss:$0x4] =	vst.msk $0xffff, v2  }
0x56: {  	v2 =	vld.idx.msk [tilespmem:v1+s12+$0x400 ss:$0x1], $0xffff;
	[tilespmem:s3+$0x6C0 ss:$0x4] =	vst.msk $0xffff, v3  }
0x57: {  	s0 =	sadd.s32 $0x80, s0;
	v3 =	vld.idx.msk [tilespmem:v1+s12+$0x800 ss:$0x1], $0xffff;
	[tilespmem:s3+$0x700 ss:$0x4] =	vst.msk $0xffff, v4  }
0x58: {  	v4 =	vld.idx.msk [tilespmem:v0+s0+$0x0 ss:$0x1], $0xffff;
	[tilespmem:s3+$0x740 ss:$0x4] =	vst.msk $0xffff, v6  }
0x59: {  	s31 =	sadd.s32 $0x800, s31;
	v6 =	vld.idx.msk [tilespmem:v0+s0+$0x10 ss:$0x1], $0xffff;
	[tilespmem:s3+$0x780 ss:$0x4] =	vst.msk $0xffff, v7  }
0x5a: {  	v7 =	vld.idx.msk [tilespmem:v0+s0+$0x20 ss:$0x1], $0xffff;
	[tilespmem:s3+$0x7C0 ss:$0x4] =	vst.msk $0xffff, v5;
	s3 =	sadd.s32 s30, s31  }
0x5b: {  	v5 =	vld.idx.msk [tilespmem:v0+s0+$0x30 ss:$0x1], $0xffff;
	[tilespmem:s3+$0x600 ss:$0x4] =	vst.msk $0xffff, v8  }
0x5c: {  	v8 =	vld.idx.msk [tilespmem:v0+s0+$0x40 ss:$0x1], $0xffff;
	[tilespmem:s3+$0x200 ss:$0x4] =	vst.msk $0xffff, v2  }
0x5d: {  	v2 =	vld.idx.msk [tilespmem:v0+s0+$0x50 ss:$0x1], $0xffff;
	[tilespmem:s3+$0x400 ss:$0x4] =	vst.msk $0xffff, v3  }
0x5e: {  	[tilespmem:s3+$0x0 ss:$0x4] =	vst.msk $0xffff, v4;
	v3 =	vld.idx.msk [tilespmem:v0+s0+$0x60 ss:$0x1], $0xffff  }
0x5f: {  	[tilespmem:s3+$0x40 ss:$0x4] =	vst.msk $0xffff, v6;
	v4 =	vld.idx.msk [tilespmem:v0+s0+$0x70 ss:$0x1], $0xffff  }
0x60: {  	[tilespmem:s3+$0x80 ss:$0x4] =	vst.msk $0xffff, v7;
	v6 =	vld.idx.msk [tilespmem:v0+s0+$0x410 ss:$0x1], $0xffff  }
0x61: {  	[tilespmem:s3+$0xC0 ss:$0x4] =	vst.msk $0xffff, v5;
	v5 =	vld.idx.msk [tilespmem:v0+s0+$0x420 ss:$0x1], $0xffff  }
0x62: {  	[tilespmem:s3+$0x100 ss:$0x4] =	vst.msk $0xffff, v8;
	v7 =	vld.idx.msk [tilespmem:v0+s0+$0x430 ss:$0x1], $0xffff  }
0x63: {  	[tilespmem:s3+$0x140 ss:$0x4] =	vst.msk $0xffff, v2;
	v2 =	vld.idx.msk [tilespmem:v0+s0+$0x440 ss:$0x1], $0xffff  }
0x64: {  	[tilespmem:s3+$0x180 ss:$0x4] =	vst.msk $0xffff, v3;
	v3 =	vld.idx.msk [tilespmem:v0+s0+$0x450 ss:$0x1], $0xffff  }
0x65: {  	[tilespmem:s3+$0x1C0 ss:$0x4] =	vst.msk $0xffff, v4;
	v4 =	vld.idx.msk [tilespmem:v0+s0+$0x460 ss:$0x1], $0xffff  }
0x66: {  	[tilespmem:s3+$0x240 ss:$0x4] =	vst.msk $0xffff, v6;
	v6 =	vld.idx.msk [tilespmem:v0+s0+$0x470 ss:$0x1], $0xffff  }
0x67: {  	[tilespmem:s3+$0x280 ss:$0x4] =	vst.msk $0xffff, v5;
	v5 =	vld.idx.msk [tilespmem:v0+s0+$0x810 ss:$0x1], $0xffff  }
0x68: {  	[tilespmem:s3+$0x2C0 ss:$0x4] =	vst.msk $0xffff, v7;
	v8 =	vld.idx.msk [tilespmem:v0+s0+$0x820 ss:$0x1], $0xffff  }
0x69: {  	[tilespmem:s3+$0x300 ss:$0x4] =	vst.msk $0xffff, v2;
	v2 =	vld.idx.msk [tilespmem:v0+s0+$0x830 ss:$0x1], $0xffff  }
0x6a: {  	[tilespmem:s3+$0x340 ss:$0x4] =	vst.msk $0xffff, v3;
	v3 =	vld.idx.msk [tilespmem:v0+s0+$0x840 ss:$0x1], $0xffff  }
0x6b: {  	[tilespmem:s3+$0x380 ss:$0x4] =	vst.msk $0xffff, v4;
	v4 =	vld.idx.msk [tilespmem:v0+s0+$0x850 ss:$0x1], $0xffff  }
0x6c: {  	[tilespmem:s3+$0x3C0 ss:$0x4] =	vst.msk $0xffff, v6;
	v6 =	vld.idx.msk [tilespmem:v0+s0+$0x860 ss:$0x1], $0xffff  }
0x6d: {  	[tilespmem:s3+$0x440 ss:$0x4] =	vst.msk $0xffff, v5;
	v7 =	vld.idx.msk [tilespmem:v0+s0+$0x870 ss:$0x1], $0xffff  }
.Ltmp3:
0x6e: {  	[tilespmem:s3+$0x480 ss:$0x4] =	vst.msk $0xffff, v8;
	v5 =	vld.idx.msk [tilespmem:v0+s0+$0xC10 ss:$0x1], $0xffff;
	(pc) =	sbr.rel @p0 .LBB1_4-.Ltmp3, $4  }
0x6f: {  	[tilespmem:s3+$0x4C0 ss:$0x4] =	vst.msk $0xffff, v2;
	v2 =	vld.idx.msk [tilespmem:v0+s0+$0xC20 ss:$0x1], $0xffff  }
0x70: {  	[tilespmem:s3+$0x500 ss:$0x4] =	vst.msk $0xffff, v3;
	v3 =	vld.idx.msk [tilespmem:v0+s0+$0xC30 ss:$0x1], $0xffff  }
0x71: {  	[tilespmem:s3+$0x540 ss:$0x4] =	vst.msk $0xffff, v4;
	v4 =	vld.idx.msk [tilespmem:v0+s0+$0xC40 ss:$0x1], $0xffff  }
0x72: {  	s9 =	sadd.s32 $0x80, s9;
	s12 =	sand.u32 $0x200, s11;
	[tilespmem:s3+$0x580 ss:$0x4] =	vst.msk $0xffff, v6;
	v6 =	vld.idx.msk [tilespmem:v0+s0+$0xC50 ss:$0x1], $0xffff  }
0x73: {  	_ =	sdelay $0x2  }
0x74: {  	[tilespmem:s3+$0x5C0 ss:$0x4] =	vst.msk $0xffff, v7  }
0x75: {  	s9 =	sand.u32 $0x180, s11;
	s12 =	sadd.s32 s12, s25;
	v47 =	vld.idx.msk [tilespmem:v0+s0+$0xC60 ss:$0x1], $0xffff;
	[tilespmem:s3+$0x640 ss:$0x4] =	vst.msk $0xffff, v5  }
0x76: {  	v48 =	vld.idx.msk [tilespmem:v0+s0+$0xC70 ss:$0x1], $0xffff;
	s9 =	sadd.s32 s9, s12;
	[tilespmem:s3+$0x680 ss:$0x4] =	vst.msk $0xffff, v2  }
0x77: {  	v2 =	vld.idx.msk [tilespmem:v1+s9+$0xC00 ss:$0x1], $0xffff;
	[tilespmem:s3+$0x6C0 ss:$0x4] =	vst.msk $0xffff, v3  }
0x78: {  	v3 =	vld.idx.msk [tilespmem:v1+s9+$0x400 ss:$0x1], $0xffff;
	[tilespmem:s3+$0x700 ss:$0x4] =	vst.msk $0xffff, v4  }
0x79: {  	s12 =	sadd.s32 $0x80, s0;
	v1 =	vld.idx.msk [tilespmem:v1+s9+$0x800 ss:$0x1], $0xffff;
	[tilespmem:s3+$0x740 ss:$0x4] =	vst.msk $0xffff, v6  }
0x7a: {  	s31 =	sadd.s32 $0x800, s31;
	v49 =	vld.idx.msk [tilespmem:v0+s12+$0x0 ss:$0x1], $0xffff;
	[tilespmem:s3+$0x780 ss:$0x4] =	vst.msk $0xffff, v47  }
0x7b: {  	v50 =	vld.idx.msk [tilespmem:v0+s12+$0x10 ss:$0x1], $0xffff;
	s9 =	sadd.s32 s30, s31;
	[tilespmem:s3+$0x7C0 ss:$0x4] =	vst.msk $0xffff, v48  }
0x7c: {  	v51 =	vld.idx.msk [tilespmem:v0+s12+$0x20 ss:$0x1], $0xffff;
	[tilespmem:s9+$0x600 ss:$0x4] =	vst.msk $0xffff, v2  }
0x7d: {  	v52 =	vld.idx.msk [tilespmem:v0+s12+$0x60 ss:$0x1], $0xffff;
	[tilespmem:s9+$0x200 ss:$0x4] =	vst.msk $0xffff, v3  }
0x7e: {  	v53 =	vld.idx.msk [tilespmem:v0+s12+$0x70 ss:$0x1], $0xffff;
	[tilespmem:s9+$0x400 ss:$0x4] =	vst.msk $0xffff, v1  }
0x7f: {  	v54 =	vld.idx.msk [tilespmem:v0+s12+$0x410 ss:$0x1], $0xffff;
	[tilespmem:s9+$0x0 ss:$0x4] =	vst.msk $0xffff, v49  }
0x80: {  	v55 =	vld.idx.msk [tilespmem:v0+s12+$0x450 ss:$0x1], $0xffff;
	[tilespmem:s9+$0x40 ss:$0x4] =	vst.msk $0xffff, v50  }
0x81: {  	v2 =	vld.idx.msk [tilespmem:v0+s12+$0x30 ss:$0x1], $0xffff;
	[tilespmem:s9+$0x80 ss:$0x4] =	vst.msk $0xffff, v51  }
0x82: {  	v3 =	vld.idx.msk [tilespmem:v0+s12+$0x40 ss:$0x1], $0xffff;
	[tilespmem:s9+$0x180 ss:$0x4] =	vst.msk $0xffff, v52  }
0x83: {  	v56 =	vld.idx.msk [tilespmem:v0+s12+$0x460 ss:$0x1], $0xffff;
	[tilespmem:s9+$0x1C0 ss:$0x4] =	vst.msk $0xffff, v53  }
0x84: {  	v57 =	vld.idx.msk [tilespmem:v0+s12+$0x470 ss:$0x1], $0xffff;
	[tilespmem:s9+$0x240 ss:$0x4] =	vst.msk $0xffff, v54  }
0x85: {  	v1 =	vld.idx.msk [tilespmem:v0+s12+$0x50 ss:$0x1], $0xffff;
	[tilespmem:s9+$0x340 ss:$0x4] =	vst.msk $0xffff, v55  }
0x86: {  	[tilespmem:s9+$0xC0 ss:$0x4] =	vst.msk $0xffff, v2;
	v2 =	vld.idx.msk [tilespmem:v0+s12+$0x420 ss:$0x1], $0xffff  }
0x87: {  	[tilespmem:s9+$0x100 ss:$0x4] =	vst.msk $0xffff, v3;
	v3 =	vld.idx.msk [tilespmem:v0+s12+$0x430 ss:$0x1], $0xffff  }
0x88: {  	v58 =	vld.idx.msk [tilespmem:v0+s12+$0x840 ss:$0x1], $0xffff;
	[tilespmem:s9+$0x380 ss:$0x4] =	vst.msk $0xffff, v56  }
0x89: {  	v59 =	vld.idx.msk [tilespmem:v0+s12+$0x850 ss:$0x1], $0xffff;
	[tilespmem:s9+$0x3C0 ss:$0x4] =	vst.msk $0xffff, v57  }
0x8a: {  	[tilespmem:s9+$0x140 ss:$0x4] =	vst.msk $0xffff, v1;
	v1 =	vld.idx.msk [tilespmem:v0+s12+$0x440 ss:$0x1], $0xffff  }
0x8b: {  	[tilespmem:s9+$0x280 ss:$0x4] =	vst.msk $0xffff, v2;
	v2 =	vld.idx.msk [tilespmem:v0+s12+$0x810 ss:$0x1], $0xffff  }
0x8c: {  	[tilespmem:s9+$0x2C0 ss:$0x4] =	vst.msk $0xffff, v3;
	v3 =	vld.idx.msk [tilespmem:v0+s12+$0x820 ss:$0x1], $0xffff  }
0x8d: {  	v60 =	vld.idx.msk [tilespmem:v0+s12+$0x860 ss:$0x1], $0xffff;
	[tilespmem:s9+$0x500 ss:$0x4] =	vst.msk $0xffff, v58  }
0x8e: {  	v61 =	vld.idx.msk [tilespmem:v0+s12+$0xC30 ss:$0x1], $0xffff;
	[tilespmem:s9+$0x540 ss:$0x4] =	vst.msk $0xffff, v59  }
0x8f: {  	[tilespmem:s9+$0x300 ss:$0x4] =	vst.msk $0xffff, v1;
	v1 =	vld.idx.msk [tilespmem:v0+s12+$0x830 ss:$0x1], $0xffff  }
0x90: {  	[tilespmem:s9+$0x440 ss:$0x4] =	vst.msk $0xffff, v2;
	v2 =	vld.idx.msk [tilespmem:v0+s12+$0x870 ss:$0x1], $0xffff  }
0x91: {  	[tilespmem:s9+$0x480 ss:$0x4] =	vst.msk $0xffff, v3;
	v3 =	vld.idx.msk [tilespmem:v0+s12+$0xC10 ss:$0x1], $0xffff  }
0x92: {  	v62 =	vld.idx.msk [tilespmem:v0+s12+$0xC40 ss:$0x1], $0xffff;
	[tilespmem:s9+$0x580 ss:$0x4] =	vst.msk $0xffff, v60  }
0x93: {  	v63 =	vld.idx.msk [tilespmem:v0+s12+$0xC50 ss:$0x1], $0xffff;
	[tilespmem:s9+$0x6C0 ss:$0x4] =	vst.msk $0xffff, v61  }
0x94: {  	[tilespmem:s9+$0x4C0 ss:$0x4] =	vst.msk $0xffff, v1;
	v1 =	vld.idx.msk [tilespmem:v0+s12+$0xC20 ss:$0x1], $0xffff  }
0x95: {  	s1 =	sadd.s32 $0x1, s1;
	[tilespmem:s9+$0x5C0 ss:$0x4] =	vst.msk $0xffff, v2;
	v2 =	vld.idx.msk [tilespmem:v0+s12+$0xC60 ss:$0x1], $0xffff  }
0x96: {  	p0 =	sne.s32 s1, $0x4;
	[tilespmem:s9+$0x640 ss:$0x4] =	vst.msk $0xffff, v3;
	v3 =	vld.idx.msk [tilespmem:v0+s12+$0xC70 ss:$0x1], $0xffff  }
.Ltmp4:
0x97: {  	[tilespmem:s9+$0x700 ss:$0x4] =	vst.msk $0xffff, v62;
	(pc) =	sbr.rel @p0 .LBB1_3-.Ltmp4, $4  }
0x98: {  	[tilespmem:s9+$0x740 ss:$0x4] =	vst.msk $0xffff, v63  }
0x99: {  	[tilespmem:s9+$0x680 ss:$0x4] =	vst.msk $0xffff, v1  }
0x9a: {  	[tilespmem:s9+$0x780 ss:$0x4] =	vst.msk $0xffff, v2  }
0x9b: {  	s7 =	sadd.s32 $0x1, s7;
	s8 =	sadd.s32 $0x1000, s8;
	[tilespmem:s9+$0x7C0 ss:$0x4] =	vst.msk $0xffff, v3  }
0x9c: {  	s0 =	sshll.u32 s26, $0x7;
	s1 =	sshll.u32 s23, $0x3  }
0x9d: {  	s3 =	sand.u32 $0x1FC00, s0;
	s1 =	sand.u32 $0x1FC00, s1  }
0x9e: {  	s7 =	sshrl.u32 s23, $0x3;
	s0 =	sand.u32 $0x380, s0;
	s1 =	sadd.s32 s1, s3  }
0x9f: {  	s3 =	sshll.u32 s27, $0xE;
	s0 =	sor.u32 s0, s1;
	s1 =	sshll.u32 s24, $0x10  }
0xa0: {  	s9 =	rddreg [dreg:$0x2];
	s7 =	sand.u32 $0xF, s7;
	s8 =	sadd.s32 s3, s1  }
0xa1: {  	s27 =	sand.u32 $0x7, s23;
	s0 =	sshrl.u32 s0, $0x3;
	s8 =	sadd.s32 s9, s8  }
0xa2: {  	s0 =	sand.u32 $0x3FF0, s0;
	s9 =	sshll.u32 s27, $0x12;
	s8 =	sadd.s32 s7, s8  }
0xa3: {  	s9 =	sor.u32 $0x4, s9;
	s8 =	sadd.s32 s0, s8  }
0xa4: {  	[hbm4b:s8+s9] =	stream.strided.scatter [tilespmem:s28], [sflag:$0x2], $0x800, s16, s9, $0x38;
	[tilespmem:$0x10000] =	vst v63  }
0xa5: {  	s28 =	rddreg [dreg:$0x3]  }
0xa6: {  	s8 =	sadd.s32 s3, s28  }
0xa7: {  	s8 =	sadd.s32 s1, s8  }
0xa8: {  	s8 =	sadd.s32 s7, s8  }
0xa9: {  	s11 =	sadd.s32 $0x8800, s25;
	s30 =	rddreg [dreg:$0x4];
	s8 =	sadd.s32 s0, s8  }
0xaa: {  	[hbm4b:s8+s9] =	stream.strided.scatter [tilespmem:s11], [sflag:$0x2], $0x800, s16, s9, $0x38;
	[tilespmem:$0x10000] =	vst v63  }
0xab: {  	s8 =	sadd.s32 s3, s30  }
0xac: {  	s8 =	sadd.s32 s1, s8  }
0xad: {  	s8 =	sadd.s32 s7, s8  }
0xae: {  	s31 =	sadd.s32 $0x9000, s25;
	s11 =	rddreg [dreg:$0x5];
	s8 =	sadd.s32 s0, s8  }
0xaf: {  	[hbm4b:s8+s9] =	stream.strided.scatter [tilespmem:s31], [sflag:$0x2], $0x800, s16, s9, $0x38;
	[tilespmem:$0x10000] =	vst v63  }
0xb0: {  	s8 =	sadd.s32 s3, s11  }
0xb1: {  	s8 =	sadd.s32 s1, s8  }
0xb2: {  	s8 =	sadd.s32 s7, s8  }
0xb3: {  	s12 =	sadd.s32 $0x9800, s25;
	s23 =	rddreg [dreg:$0x6];
	s8 =	sadd.s32 s0, s8  }
0xb4: {  	[hbm4b:s8+s9] =	stream.strided.scatter [tilespmem:s12], [sflag:$0x2], $0x800, s16, s9, $0x38;
	[tilespmem:$0x10000] =	vst v63  }
0xb5: {  	s8 =	sadd.s32 s3, s23  }
0xb6: {  	s8 =	sadd.s32 s1, s8  }
0xb7: {  	s8 =	sadd.s32 s7, s8  }
0xb8: {  	s26 =	rddreg [dreg:$0x7];
	s24 =	sadd.s32 $0xA000, s25;
	s8 =	sadd.s32 s0, s8  }
0xb9: {  	[hbm4b:s8+s9] =	stream.strided.scatter [tilespmem:s24], [sflag:$0x2], $0x800, s16, s9, $0x38;
	[tilespmem:$0x10000] =	vst v63  }
0xba: {  	s8 =	sadd.s32 s3, s26  }
0xbb: {  	s8 =	sadd.s32 s1, s8  }
0xbc: {  	s8 =	sadd.s32 s7, s8  }
0xbd: {  	s27 =	sadd.s32 $0xA800, s25;
	s28 =	sadd.s32 s3, s13;
	s8 =	sadd.s32 s0, s8  }
0xbe: {  	[hbm4b:s8+s9] =	stream.strided.scatter [tilespmem:s27], [sflag:$0x2], $0x800, s16, s9, $0x38;
	[tilespmem:$0x10000] =	vst v63  }
0xbf: {  	s3 =	sadd.s32 s3, s14;
	s8 =	sadd.s32 s1, s28  }
.Ltmp5:
0xc0: {  	s1 =	sadd.s32 s1, s3;
	s8 =	sadd.s32 s7, s8;
	(pc) =	sbr.rel .LBB1_7-.Ltmp5, $4  }
0xc1: {  	s30 =	sadd.s32 $0xB000, s25;
	s1 =	sadd.s32 s7, s1;
	s8 =	sadd.s32 s0, s8  }
0xc2: {  	[hbm4b:s8+s9] =	stream.strided.scatter [tilespmem:s30], [sflag:$0x2], $0x800, s16, s9, $0x38;
	[tilespmem:$0x10000] =	vst v63  }
0xc3: {  	s31 =	sadd.s32 $0xB800, s25;
	s0 =	sadd.s32 s0, s1  }
0xc4: {  	[hbm4b:s0+s9] =	stream.strided.scatter [tilespmem:s31], [sflag:$0x2], $0x800, s16, s9, $0x38;
	[tilespmem:$0x10000] =	vst v63  }
.LBB1_8:
0xc5: {  	_ =	sfence.sel $0x180000  }
0xc6: {  	s0 =	simm.s32 $0x1;
	[bflag:$0x0] =	sbarrier.arrive $0xFFFF  }
0xc7: {  	s30 =	simm.s32 $0x2;
	[sflag:s0] =	ssyncpa.u1 $0x1  }
0xc8: {  	[sflag:s30] =	ssyncpa.u1 $0x1  }
0xc9: {  	_ =	strace $0x9000004D  }
0xca: {  	s31 =	stileid.u32;
	[bflag:$0x2] =	sbarrier.arrive $0xFFFF  }
0xcb: {  	p0 =	sne.s32 s31, $0x0;
	s0 =	rddreg [dreg:$0x1]  }
0xcc: {  	s0 =	sadd.s32 @!p0 $0x100000, s0  }
0xcd: {  	[sflag:s0] =	ssyncadd.tile.s32 @!p0 $0x1;
	_ =	shalt  }
.Lfunc_end1:
_tile_overlayer_lowered:
.L_overlay_start_2:
0xce: {  	(tag) =	ssettag $0x2  }
0xcf: {  	s0 =	rddreg [dreg:$0x0];
	s2 =	stileid.u32  }
0xd0: {  	s1 =	rddreg [dreg:$0x1];
	p0 =	sne.s32 s2, $0x0  }
0xd1: {  	s3 =	rddreg [dreg:$0x2];
	[bflag:$0x3] =	sbarrier.arrive $0xFFFF;
	s2 =	simm.s32 @!p0 $0x1C01  }
0xd2: {  	[timem:s3], [sflag:s2] =	dma.local @!p0 [hbm:s0], s1  }
0xd3: {  	s0 =	simm.s32 @!p0 $0x1  }
0xd4: {  	_ =	swait.ge @!p0 [sflag:s0], s1  }
0xd5: {  	s1 =	ssub.s32 @!p0 $0x0, s1;
	[sflag:s0] =	ssyncset.done @!p0 $0x0  }
0xd6: {  	[sflag:s0] =	ssyncadd.s32 @!p0 s1  }
0xd7: {  	[bflag:$0x3] =	sbarrier.arrive $0xFFFF  }
0xd8: {  	_ =	shalt  }

</sc_bundles>
